<compile_context>
chip_gen: v7x
topology: tpu7x:2x2x1
jax: 0.10.2.dev20260603
libtpu: 0.0.44.dev20260713+nightly
codegen_flags: <defaults>
</compile_context>

<pallas_src>
import functools

import jax
import jax.numpy as jnp
from jax import lax
from jax.experimental import pallas as pl
from jax.experimental.pallas import tpu as pltpu
from jax.experimental.pallas import tpu_sc as plsc

N = 10000
E = 320000
DH = 128
NC = 2
NS = 16
NW = NC * NS
EW = E // NW
CH = 104
NCH = 97
EWP = NCH * CH
RPW = 624
TAIL = N - NS * RPW
T = 100
S_IN = 20
S_OUT = 12
G = N // (T * S_IN)

_MESH = plsc.VectorSubcoreMesh(core_axis_name="c", subcore_axis_name="s")
_SC_PARAMS = pltpu.CompilerParams(needs_layout_passes=False)


def _hist_body(col_hbm, out_hbm, colv, histv, sem):
    c = lax.axis_index("c")
    s = lax.axis_index("s")
    w = c * NS + s
    pltpu.async_copy(col_hbm.at[w], colv, sem).wait()

    zeros16 = jnp.zeros((16,), jnp.float32)

    def zb(i, carry):
        histv[pl.ds(i * 16, 16)] = zeros16
        return carry

    lax.fori_loop(0, N // 16, zb, 0)

    ones16 = jnp.ones((16,), jnp.float32)

    def hb(i, carry):
        idx = colv[i]
        plsc.addupdate_scatter(histv, [idx], ones16)
        return carry

    lax.fori_loop(0, EW // 16, hb, 0)
    pltpu.async_copy(histv, out_hbm.at[w, 0], sem).wait()


_hist = pl.kernel(
    _hist_body,
    out_type=jax.ShapeDtypeStruct((NW, 1, N), jnp.float32),
    mesh=_MESH,
    scratch_types=[
        pltpu.VMEM((EW // 16, 16), jnp.int32),
        pltpu.VMEM((N,), jnp.float32),
        pltpu.SemaphoreType.DMA,
    ],
    compiler_params=_SC_PARAMS,
)


def _agg_body(g_hbm, gh_hbm, row_hbm, col_hbm, out_hbm, rowv, colv,
              msg0, msg1, acc, sem0, sem1, ssem0, ssem1):
    c = lax.axis_index("c")
    s = lax.axis_index("s")
    w = c * NS + s
    pltpu.async_copy(row_hbm.at[w, 0], rowv, sem0).wait()
    pltpu.async_copy(col_hbm.at[w], colv, sem0).wait()
    pltpu.sync_copy(gh_hbm.at[pl.ds(s * RPW, RPW)], acc.at[pl.ds(s * RPW, RPW)])

    @pl.when(s == NS - 1)
    def _():
        pltpu.sync_copy(gh_hbm.at[pl.ds(NS * RPW, TAIL)],
                        acc.at[pl.ds(NS * RPW, TAIL)])

    plsc.subcore_barrier()

    def gather(j, buf, sem):
        base = pl.multiple_of(j * CH, 8)
        return pltpu.async_copy(g_hbm.at[rowv.at[pl.ds(base, CH)]], buf, sem)

    def gwait(j, buf, sem):
        base = pl.multiple_of(j * CH, 8)
        pltpu.make_async_copy(g_hbm.at[rowv.at[pl.ds(base, CH)]], buf,
                              sem).wait()

    def scatter(j, buf, sem):
        return pltpu.async_copy(buf, acc.at[colv.at[j]], sem, add=True)

    def swait(j, buf, sem):
        pltpu.make_async_copy(buf, acc.at[colv.at[j]], sem).wait()

    gather(0, msg0, sem0)
    gather(1, msg1, sem1)

    def body(jo, carry):
        j = 2 * jo
        gwait(j, msg0, sem0)
        scatter(j, msg0, ssem0)
        gwait(j + 1, msg1, sem1)
        scatter(j + 1, msg1, ssem1)
        swait(j, msg0, ssem0)
        gather(j + 2, msg0, sem0)
        swait(j + 1, msg1, ssem1)

        @pl.when(j + 3 < NCH)
        def _():
            gather(j + 3, msg1, sem1)

        return carry

    lax.fori_loop(0, NCH // 2, body, 0)
    gwait(NCH - 1, msg0, sem0)
    pltpu.sync_copy(msg0, acc.at[colv.at[NCH - 1]], add=True)
    plsc.subcore_barrier()
    pltpu.sync_copy(acc.at[pl.ds(s * RPW, RPW)],
                    out_hbm.at[c, pl.ds(s * RPW, RPW)])

    @pl.when(s == NS - 1)
    def _():
        pltpu.sync_copy(acc.at[pl.ds(NS * RPW, TAIL)],
                        out_hbm.at[c, pl.ds(NS * RPW, TAIL)])


_agg = pl.kernel(
    _agg_body,
    out_type=jax.ShapeDtypeStruct((NC, N, DH), jnp.float32),
    mesh=_MESH,
    scratch_types=[
        pltpu.VMEM((EWP,), jnp.int32),
        pltpu.VMEM((NCH, CH), jnp.int32),
        pltpu.VMEM((CH, DH), jnp.float32),
        pltpu.VMEM((CH, DH), jnp.float32),
        pltpu.VMEM_SHARED((N + 8, DH), jnp.float32),
        pltpu.SemaphoreType.DMA,
        pltpu.SemaphoreType.DMA,
        pltpu.SemaphoreType.DMA,
        pltpu.SemaphoreType.DMA,
    ],
    compiler_params=_SC_PARAMS,
)


def _dinv_body(hist_ref, dinv_ref):
    deg = jnp.sum(hist_ref[...], axis=(0, 1)) + 1.0
    dinv_ref[...] = lax.rsqrt(deg)[None, :]


def _mm0_body(x_ref, dinvT_ref, W_ref, g_ref, gh_ref):
    g = dinvT_ref[...] * jnp.dot(
        x_ref[...], W_ref[...], preferred_element_type=jnp.float32)
    g_ref[...] = g
    gh_ref[...] = 0.5 * g


def _postmm_body(p_ref, dinvT_ref, b_ref, W_ref, g_ref, gh_ref):
    dv = dinvT_ref[...]
    t = jnp.maximum(dv * (p_ref[0] + p_ref[1]) + b_ref[...], 0.0)
    g = dv * jnp.dot(t, W_ref[...], preferred_element_type=jnp.float32)
    g_ref[...] = g
    gh_ref[...] = 0.5 * g


def _pred_body(p_ref, dinvT_ref, b_ref, Wp_ref, bp_ref, out_ref):
    dv = dinvT_ref[...]
    t = jnp.maximum(dv * (p_ref[0] + p_ref[1]) + b_ref[...], 0.0)
    out_ref[...] = jnp.dot(
        t, Wp_ref[...], preferred_element_type=jnp.float32) + bp_ref[...]


_dinv = pl.pallas_call(
    _dinv_body, out_shape=jax.ShapeDtypeStruct((1, N), jnp.float32))

_mm0 = pl.pallas_call(
    _mm0_body,
    out_shape=(jax.ShapeDtypeStruct((N, DH), jnp.float32),
               jax.ShapeDtypeStruct((N, DH), jnp.float32)))

_postmm = pl.pallas_call(
    _postmm_body,
    out_shape=(jax.ShapeDtypeStruct((N, DH), jnp.float32),
               jax.ShapeDtypeStruct((N, DH), jnp.float32)))

_pred = pl.pallas_call(
    _pred_body, out_shape=jax.ShapeDtypeStruct((N, S_OUT), jnp.float32))


def kernel(x, edge_index, edge_attr, batch, W0, b0, W1, b1, W2, b2, Wp, bp):
    row3 = jnp.pad(edge_index[0].reshape(NW, EW),
                   ((0, 0), (0, EWP - EW))).reshape(NW, 1, EWP)
    col3 = jnp.pad(edge_index[1].reshape(NW, EW), ((0, 0), (0, EWP - EW)),
                   constant_values=N).reshape(NW, NCH, CH)
    col16 = edge_index[1].reshape(NW, EW // 16, 16)

    hist = _hist(col16)
    dinv_row = _dinv(hist)
    dinvT = dinv_row.reshape(N, 1)

    g, gh = _mm0(x, dinvT, W0)
    p = _agg(g, gh, row3, col3)
    g, gh = _postmm(p, dinvT, b0, W1)
    p = _agg(g, gh, row3, col3)
    g, gh = _postmm(p, dinvT, b1, W2)
    p = _agg(g, gh, row3, col3)
    pred = _pred(p, dinvT, b2, Wp, bp)

    out = pred.reshape(G, T * S_IN, S_OUT)[:, (S_IN - 1) * T:, :]
    return out.reshape(-1, T, S_OUT, 1)

# --- scband reference (transcript-rebuilt; emitter-appended) ---
"""Pipeline reference for scband-product-graph-gnn-66752381714624 (READ-ONLY COPY).

The authoritative reference and input builder live on the scoring server;
editing this copy changes nothing except your own understanding.
"""

import jax, jax.numpy as jnp
import numpy as np

N = 10000
E = 320000
D_IN = 128
H = 128
NUM_LAYERS = 3
T = 100          # num_turbines
S_IN = 20        # input_sequence_length
S_OUT = 12       # output_sequence_length
G = 5            # number of graphs in batch (N // (T*S_IN))


def setup_inputs(seed: int = 0) -> dict:
    key = jax.random.key(seed)
    ks = jax.random.split(key, 12)
    x = jax.random.normal(ks[0], (N, D_IN), dtype=jnp.float32)
    edge_index = jax.random.randint(ks[1], (2, E), 0, N, dtype=jnp.int32)
    edge_attr = jax.random.normal(ks[2], (E, 4), dtype=jnp.float32)
    # batch assigns 2000 consecutive nodes to each of the 5 graphs (sorted ids)
    batch = jnp.repeat(jnp.arange(G, dtype=jnp.int32), N // G)
    # GCNConv params: lin weight [in, out] (no bias in lin), plus additive bias
    s = 1.0 / np.sqrt(D_IN)
    W0 = jax.random.uniform(ks[3], (D_IN, H), jnp.float32, -s, s)
    b0 = jnp.zeros((H,), jnp.float32)
    s2 = 1.0 / np.sqrt(H)
    W1 = jax.random.uniform(ks[4], (H, H), jnp.float32, -s2, s2)
    b1 = jnp.zeros((H,), jnp.float32)
    W2 = jax.random.uniform(ks[5], (H, H), jnp.float32, -s2, s2)
    b2 = jnp.zeros((H,), jnp.float32)
    Wp = jax.random.uniform(ks[6], (H, S_OUT), jnp.float32, -s2, s2)
    bp = jax.random.uniform(ks[7], (S_OUT,), jnp.float32, -s2, s2)
    return {"x": x, "edge_index": edge_index, "edge_attr": edge_attr, "batch": batch,
            "W0": W0, "b0": b0, "W1": W1, "b1": b1, "W2": W2, "b2": b2,
            "Wp": Wp, "bp": bp}


def _gcn_conv(h, W, b, edge_index, n):
    # PyG GCNConv: add self-loops, symmetric normalization D^-1/2 (A+I) D^-1/2
    loop = jnp.arange(n, dtype=edge_index.dtype)
    row = jnp.concatenate([edge_index[0], loop])  # source
    col = jnp.concatenate([edge_index[1], loop])  # destination
    deg = jnp.zeros((n,), jnp.float32).at[col].add(1.0)
    dinv = jnp.where(deg > 0, 1.0 / jnp.sqrt(deg), 0.0)
    norm = dinv[row] * dinv[col]
    hw = h @ W
    msg = hw[row] * norm[:, None]
    out = jnp.zeros((n, hw.shape[1]), jnp.float32).at[col].add(msg)
    return out + b


def reference(x, edge_index, edge_attr, batch, W0, b0, W1, b1, W2, b2, Wp, bp):
    n = x.shape[0]
    h = x
    for (W, b) in ((W0, b0), (W1, b1), (W2, b2)):
        h = jax.nn.relu(_gcn_conv(h, W, b, edge_index, n))
        # dropout is identity in eval mode
    num_graphs = batch.shape[0] // (T * S_IN)
    num_nodes_per_window = T * S_IN
    last_start = (S_IN - 1) * T
    idx = (jnp.arange(num_graphs)[:, None] * num_nodes_per_window + last_start
           + jnp.arange(T)[None, :]).reshape(-1)
    last = h[idx]
    pred_flat = last @ Wp + bp
    return pred_flat.reshape(-1, T, S_OUT, 1)

if __name__ == "__main__":
    import jax
    _d = setup_inputs()
    print(jax.jit(kernel)(*tuple(_d.values())))

</pallas_src>

<mosaic_0001>
#map = affine_map<(d0, d1) -> (0, 0)>
#map1 = affine_map<(d0, d1) -> (0, 0, 0)>
module attributes {stable_mosaic.version = 14 : i64} {
  func.func @_agg_body(%arg0: i32, %arg1: i32, %arg2: memref<10000x128xf32, #tpu.memory_space<hbm>>, %arg3: memref<10000x128xf32, #tpu.memory_space<hbm>>, %arg4: memref<32x1x10088xi32, #tpu.memory_space<hbm>>, %arg5: memref<32x97x104xi32, #tpu.memory_space<hbm>>, %arg6: memref<2x10000x128xf32, #tpu.memory_space<hbm>>, %arg7: memref<10088xi32, #tpu.memory_space<vmem>>, %arg8: memref<97x104xi32, #tpu.memory_space<vmem>>, %arg9: memref<104x128xf32, #tpu.memory_space<vmem>>, %arg10: memref<104x128xf32, #tpu.memory_space<vmem>>, %arg11: memref<10008x128xf32, #tpu.memory_space<vmem_shared>>, %arg12: memref<!tpu.dma_semaphore, #tpu.memory_space<semaphore_mem>>, %arg13: memref<!tpu.dma_semaphore, #tpu.memory_space<semaphore_mem>>, %arg14: memref<!tpu.dma_semaphore, #tpu.memory_space<semaphore_mem>>, %arg15: memref<!tpu.dma_semaphore, #tpu.memory_space<semaphore_mem>>) attributes {dimension_semantics = [#tpu.dimension_semantics<core_parallel>, #tpu.dimension_semantics<subcore_parallel>], iteration_bounds = array<i64: 2, 16>, scalar_prefetch = 0 : i64, scratch_operands = 9 : i64, tpu.core_type = #tpu.core_type<sc_vector_subcore>, window_params = [{transform_indices = #map}, {transform_indices = #map}, {transform_indices = #map1}, {transform_indices = #map1}, {transform_indices = #map1}]} {
    %mul3A = arith.constant 16 : i32
    %mul3A_0 = arith.muli %arg0, %mul3A : i32
    %add3A = arith.addi %mul3A_0, %arg1 : i32
    %dma_start3A = arith.constant 0 : i32
    %dma_start3A_1 = arith.constant 0 : i32
    %dma_start3A_2 = tpu.memref_slice %arg4[%add3A, %dma_start3A, %dma_start3A_1] : memref<32x1x10088xi32, #tpu.memory_space<hbm>> -> memref<1x1x10088xi32, #tpu.memory_space<hbm>>
    %dma_start3A_3 = tpu.memref_squeeze %dma_start3A_2 : memref<1x1x10088xi32, #tpu.memory_space<hbm>> -> memref<10088xi32, #tpu.memory_space<hbm>>
    %dma_start3A_4 = arith.constant 0 : i32
    %dma_start3A_5 = tpu.memref_slice %arg4[%add3A, %dma_start3A, %dma_start3A_4] : memref<32x1x10088xi32, #tpu.memory_space<hbm>> -> memref<1x1x10088xi32, #tpu.memory_space<hbm>>
    %dma_start3A_6 = tpu.memref_squeeze %dma_start3A_5 : memref<1x1x10088xi32, #tpu.memory_space<hbm>> -> memref<10088xi32, #tpu.memory_space<hbm>>
    tpu.enqueue_dma source(%dma_start3A_6 : memref<10088xi32, #tpu.memory_space<hbm>>) target(%arg7 : memref<10088xi32, #tpu.memory_space<vmem>>) target_semaphore(%arg12 : memref<!tpu.dma_semaphore, #tpu.memory_space<semaphore_mem>>)
    %dma_wait3A = arith.constant 0 : i32
    %dma_wait3A_7 = arith.constant 0 : i32
    %dma_wait3A_8 = tpu.memref_slice %arg4[%add3A, %dma_wait3A, %dma_wait3A_7] : memref<32x1x10088xi32, #tpu.memory_space<hbm>> -> memref<1x1x10088xi32, #tpu.memory_space<hbm>>
    %dma_wait3A_9 = tpu.memref_squeeze %dma_wait3A_8 : memref<1x1x10088xi32, #tpu.memory_space<hbm>> -> memref<10088xi32, #tpu.memory_space<hbm>>
    %dma_wait3A_10 = arith.constant 0 : i32
    %dma_wait3A_11 = tpu.memref_slice %arg4[%add3A, %dma_wait3A, %dma_wait3A_10] : memref<32x1x10088xi32, #tpu.memory_space<hbm>> -> memref<1x1x10088xi32, #tpu.memory_space<hbm>>
    %dma_wait3A_12 = tpu.memref_squeeze %dma_wait3A_11 : memref<1x1x10088xi32, #tpu.memory_space<hbm>> -> memref<10088xi32, #tpu.memory_space<hbm>>
    tpu.wait_dma2 semaphore(%arg12 : memref<!tpu.dma_semaphore, #tpu.memory_space<semaphore_mem>>) src(%dma_wait3A_12 : memref<10088xi32, #tpu.memory_space<hbm>>) dst(%arg7 : memref<10088xi32, #tpu.memory_space<vmem>>)
    %dma_start3A_13 = arith.constant 0 : i32
    %dma_start3A_14 = arith.constant 0 : i32
    %dma_start3A_15 = tpu.memref_slice %arg5[%add3A, %dma_start3A_13, %dma_start3A_14] : memref<32x97x104xi32, #tpu.memory_space<hbm>> -> memref<1x97x104xi32, #tpu.memory_space<hbm>>
    %dma_start3A_16 = tpu.memref_squeeze %dma_start3A_15 : memref<1x97x104xi32, #tpu.memory_space<hbm>> -> memref<97x104xi32, #tpu.memory_space<hbm>>
    %dma_start3A_17 = arith.constant 0 : i32
    %dma_start3A_18 = arith.constant 0 : i32
    %dma_start3A_19 = tpu.memref_slice %arg5[%add3A, %dma_start3A_17, %dma_start3A_18] : memref<32x97x104xi32, #tpu.memory_space<hbm>> -> memref<1x97x104xi32, #tpu.memory_space<hbm>>
    %dma_start3A_20 = tpu.memref_squeeze %dma_start3A_19 : memref<1x97x104xi32, #tpu.memory_space<hbm>> -> memref<97x104xi32, #tpu.memory_space<hbm>>
    tpu.enqueue_dma source(%dma_start3A_20 : memref<97x104xi32, #tpu.memory_space<hbm>>) target(%arg8 : memref<97x104xi32, #tpu.memory_space<vmem>>) target_semaphore(%arg12 : memref<!tpu.dma_semaphore, #tpu.memory_space<semaphore_mem>>)
    %dma_wait3A_21 = arith.constant 0 : i32
    %dma_wait3A_22 = arith.constant 0 : i32
    %dma_wait3A_23 = tpu.memref_slice %arg5[%add3A, %dma_wait3A_21, %dma_wait3A_22] : memref<32x97x104xi32, #tpu.memory_space<hbm>> -> memref<1x97x104xi32, #tpu.memory_space<hbm>>
    %dma_wait3A_24 = tpu.memref_squeeze %dma_wait3A_23 : memref<1x97x104xi32, #tpu.memory_space<hbm>> -> memref<97x104xi32, #tpu.memory_space<hbm>>
    %dma_wait3A_25 = arith.constant 0 : i32
    %dma_wait3A_26 = arith.constant 0 : i32
    %dma_wait3A_27 = tpu.memref_slice %arg5[%add3A, %dma_wait3A_25, %dma_wait3A_26] : memref<32x97x104xi32, #tpu.memory_space<hbm>> -> memref<1x97x104xi32, #tpu.memory_space<hbm>>
    %dma_wait3A_28 = tpu.memref_squeeze %dma_wait3A_27 : memref<1x97x104xi32, #tpu.memory_space<hbm>> -> memref<97x104xi32, #tpu.memory_space<hbm>>
    tpu.wait_dma2 semaphore(%arg12 : memref<!tpu.dma_semaphore, #tpu.memory_space<semaphore_mem>>) src(%dma_wait3A_28 : memref<97x104xi32, #tpu.memory_space<hbm>>) dst(%arg8 : memref<97x104xi32, #tpu.memory_space<vmem>>)
    %mul3A_29 = arith.constant 624 : i32
    %mul3A_30 = arith.muli %arg1, %mul3A_29 : i32
    %mul3A_31 = arith.constant 624 : i32
    %mul3A_32 = arith.muli %arg1, %mul3A_31 : i32
    "tpu.region"() ({
      %run_scoped3A_67 = tpu.sem_alloc : memref<!tpu.dma_semaphore, #tpu.memory_space<semaphore_mem>>
      %dma_start3A_68 = arith.constant 0 : i32
      %dma_start3A_69 = tpu.memref_slice %arg11[%mul3A_32, %dma_start3A_68] : memref<10008x128xf32, #tpu.memory_space<vmem_shared>> -> memref<624x128xf32, #tpu.memory_space<vmem_shared>>
      %dma_start3A_70 = arith.constant 0 : i32
      %dma_start3A_71 = tpu.memref_slice %arg3[%mul3A_30, %dma_start3A_70] : memref<10000x128xf32, #tpu.memory_space<hbm>> -> memref<624x128xf32, #tpu.memory_space<hbm>>
      tpu.enqueue_dma source(%dma_start3A_71 : memref<624x128xf32, #tpu.memory_space<hbm>>) target(%dma_start3A_69 : memref<624x128xf32, #tpu.memory_space<vmem_shared>>) target_semaphore(%run_scoped3A_67 : memref<!tpu.dma_semaphore, #tpu.memory_space<semaphore_mem>>)
      %dma_wait3A_72 = arith.constant 0 : i32
      %dma_wait3A_73 = tpu.memref_slice %arg11[%mul3A_32, %dma_wait3A_72] : memref<10008x128xf32, #tpu.memory_space<vmem_shared>> -> memref<624x128xf32, #tpu.memory_space<vmem_shared>>
      %dma_wait3A_74 = arith.constant 0 : i32
      %dma_wait3A_75 = tpu.memref_slice %arg3[%mul3A_30, %dma_wait3A_74] : memref<10000x128xf32, #tpu.memory_space<hbm>> -> memref<624x128xf32, #tpu.memory_space<hbm>>
      tpu.wait_dma2 semaphore(%run_scoped3A_67 : memref<!tpu.dma_semaphore, #tpu.memory_space<semaphore_mem>>) src(%dma_wait3A_75 : memref<624x128xf32, #tpu.memory_space<hbm>>) dst(%dma_wait3A_73 : memref<624x128xf32, #tpu.memory_space<vmem_shared>>)
      tpu.yield
    }) : () -> ()
    %eq3A = arith.constant 15 : i32
    %eq3A_33 = arith.cmpi eq, %arg1, %eq3A : i32
    %convert_element_type3A = arith.extui %eq3A_33 : i1 to i32
    %cond3A = arith.constant 0 : i32
    %cond3A_34 = arith.cmpi ne, %convert_element_type3A, %cond3A : i32
    scf.if %cond3A_34 {
      "tpu.region"() ({
        %run_scoped3A_67 = tpu.sem_alloc : memref<!tpu.dma_semaphore, #tpu.memory_space<semaphore_mem>>
        %dma_start3A_68 = arith.constant 9984 : i32
        %dma_start3A_69 = arith.constant 0 : i32
        %dma_start3A_70 = tpu.memref_slice %arg11[%dma_start3A_68, %dma_start3A_69] : memref<10008x128xf32, #tpu.memory_space<vmem_shared>> -> memref<16x128xf32, #tpu.memory_space<vmem_shared>>
        %dma_start3A_71 = arith.constant 9984 : i32
        %dma_start3A_72 = arith.constant 0 : i32
        %dma_start3A_73 = tpu.memref_slice %arg3[%dma_start3A_71, %dma_start3A_72] : memref<10000x128xf32, #tpu.memory_space<hbm>> -> memref<16x128xf32, #tpu.memory_space<hbm>>
        tpu.enqueue_dma source(%dma_start3A_73 : memref<16x128xf32, #tpu.memory_space<hbm>>) target(%dma_start3A_70 : memref<16x128xf32, #tpu.memory_space<vmem_shared>>) target_semaphore(%run_scoped3A_67 : memref<!tpu.dma_semaphore, #tpu.memory_space<semaphore_mem>>)
        %dma_wait3A_74 = arith.constant 9984 : i32
        %dma_wait3A_75 = arith.constant 0 : i32
        %dma_wait3A_76 = tpu.memref_slice %arg11[%dma_wait3A_74, %dma_wait3A_75] : memref<10008x128xf32, #tpu.memory_space<vmem_shared>> -> memref<16x128xf32, #tpu.memory_space<vmem_shared>>
        %dma_wait3A_77 = arith.constant 9984 : i32
        %dma_wait3A_78 = arith.constant 0 : i32
        %dma_wait3A_79 = tpu.memref_slice %arg3[%dma_wait3A_77, %dma_wait3A_78] : memref<10000x128xf32, #tpu.memory_space<hbm>> -> memref<16x128xf32, #tpu.memory_space<hbm>>
        tpu.wait_dma2 semaphore(%run_scoped3A_67 : memref<!tpu.dma_semaphore, #tpu.memory_space<semaphore_mem>>) src(%dma_wait3A_79 : memref<16x128xf32, #tpu.memory_space<hbm>>) dst(%dma_wait3A_76 : memref<16x128xf32, #tpu.memory_space<vmem_shared>>)
        tpu.yield
      }) : () -> ()
    } else {
    }
    %barrier3A = arith.constant 0 : index
    tpu.barrier barrier_id(%barrier3A)
    %multiple_of3A = arith.constant 0 : i32
    %multiple_of3A_35 = tpu.assume_multiple %multiple_of3A, 8 : i32
    %dma_start3A_36 = tpu.memref_slice %arg7[%multiple_of3A_35] : memref<10088xi32, #tpu.memory_space<vmem>> -> memref<104xi32, #tpu.memory_space<vmem>>
    %dma_start3A_37 = arith.constant 0 : i32
    %dma_start3A_38 = arith.constant 0 : i32
    %dma_start3A_39 = tpu.memref_slice %arg2[%dma_start3A_37, %dma_start3A_38] : memref<10000x128xf32, #tpu.memory_space<hbm>> -> memref<10000x128xf32, #tpu.memory_space<hbm>>
    tpu.enqueue_indirect_dma source(%dma_start3A_39 : memref<10000x128xf32, #tpu.memory_space<hbm>>) target(%arg9 : memref<104x128xf32, #tpu.memory_space<vmem>>) offsets(%dma_start3A_36 : memref<104xi32, #tpu.memory_space<vmem>>) semaphore(%arg12 : memref<!tpu.dma_semaphore, #tpu.memory_space<semaphore_mem>>)
    %multiple_of3A_40 = arith.constant 104 : i32
    %multiple_of3A_41 = tpu.assume_multiple %multiple_of3A_40, 8 : i32
    %dma_start3A_42 = tpu.memref_slice %arg7[%multiple_of3A_41] : memref<10088xi32, #tpu.memory_space<vmem>> -> memref<104xi32, #tpu.memory_space<vmem>>
    %dma_start3A_43 = arith.constant 0 : i32
    %dma_start3A_44 = arith.constant 0 : i32
    %dma_start3A_45 = tpu.memref_slice %arg2[%dma_start3A_43, %dma_start3A_44] : memref<10000x128xf32, #tpu.memory_space<hbm>> -> memref<10000x128xf32, #tpu.memory_space<hbm>>
    tpu.enqueue_indirect_dma source(%dma_start3A_45 : memref<10000x128xf32, #tpu.memory_space<hbm>>) target(%arg10 : memref<104x128xf32, #tpu.memory_space<vmem>>) offsets(%dma_start3A_42 : memref<104xi32, #tpu.memory_space<vmem>>) semaphore(%arg13 : memref<!tpu.dma_semaphore, #tpu.memory_space<semaphore_mem>>)
    %scan3A = arith.constant 0 : i32
    %scan3A_46 = arith.constant 0 : i32
    %scan3A_47 = arith.constant 48 : i32
    %scan3A_48 = arith.addi %scan3A_46, %scan3A_47 : i32
    %scan3A_49 = arith.constant 1 : i32
    scf.for %scan3A_67 = %scan3A_46 to %scan3A_48 step %scan3A_49  : i32 {
      %mul3A_68 = arith.constant 2 : i32
      %mul3A_69 = arith.muli %mul3A_68, %scan3A_67 : i32
      %mul3A_70 = arith.constant 104 : i32
      %mul3A_71 = arith.muli %mul3A_69, %mul3A_70 : i32
      %multiple_of3A_72 = tpu.assume_multiple %mul3A_71, 8 : i32
      %dma_wait3A_73 = tpu.memref_slice %arg7[%multiple_of3A_72] : memref<10088xi32, #tpu.memory_space<vmem>> -> memref<104xi32, #tpu.memory_space<vmem>>
      %dma_wait3A_74 = arith.constant 0 : i32
      %dma_wait3A_75 = arith.constant 0 : i32
      %dma_wait3A_76 = tpu.memref_slice %arg2[%dma_wait3A_74, %dma_wait3A_75] : memref<10000x128xf32, #tpu.memory_space<hbm>> -> memref<10000x128xf32, #tpu.memory_space<hbm>>
      tpu.wait_indirect_dma semaphore(%arg12 : memref<!tpu.dma_semaphore, #tpu.memory_space<semaphore_mem>>) src(%dma_wait3A_76 : memref<10000x128xf32, #tpu.memory_space<hbm>>) dst(%arg9 : memref<104x128xf32, #tpu.memory_space<vmem>>)
      %dma_start3A_77 = arith.constant 0 : i32
      %dma_start3A_78 = tpu.memref_slice %arg8[%mul3A_69, %dma_start3A_77] : memref<97x104xi32, #tpu.memory_space<vmem>> -> memref<1x104xi32, #tpu.memory_space<vmem>>
      %dma_start3A_79 = tpu.memref_squeeze %dma_start3A_78 : memref<1x104xi32, #tpu.memory_space<vmem>> -> memref<104xi32, #tpu.memory_space<vmem>>
      %dma_start3A_80 = arith.constant 0 : i32
      %dma_start3A_81 = arith.constant 0 : i32
      %dma_start3A_82 = tpu.memref_slice %arg11[%dma_start3A_80, %dma_start3A_81] : memref<10008x128xf32, #tpu.memory_space<vmem_shared>> -> memref<10008x128xf32, #tpu.memory_space<vmem_shared>>
      tpu.enqueue_indirect_dma source(%arg9 : memref<104x128xf32, #tpu.memory_space<vmem>>) target(%dma_start3A_82 : memref<10008x128xf32, #tpu.memory_space<vmem_shared>>) offsets(%dma_start3A_79 : memref<104xi32, #tpu.memory_space<vmem>>) semaphore(%arg14 : memref<!tpu.dma_semaphore, #tpu.memory_space<semaphore_mem>>) {add = true}
      %add3A_83 = arith.constant 1 : i32
      %add3A_84 = arith.addi %mul3A_69, %add3A_83 : i32
      %mul3A_85 = arith.constant 104 : i32
      %mul3A_86 = arith.muli %add3A_84, %mul3A_85 : i32
      %multiple_of3A_87 = tpu.assume_multiple %mul3A_86, 8 : i32
      %dma_wait3A_88 = tpu.memref_slice %arg7[%multiple_of3A_87] : memref<10088xi32, #tpu.memory_space<vmem>> -> memref<104xi32, #tpu.memory_space<vmem>>
      %dma_wait3A_89 = arith.constant 0 : i32
      %dma_wait3A_90 = arith.constant 0 : i32
      %dma_wait3A_91 = tpu.memref_slice %arg2[%dma_wait3A_89, %dma_wait3A_90] : memref<10000x128xf32, #tpu.memory_space<hbm>> -> memref<10000x128xf32, #tpu.memory_space<hbm>>
      tpu.wait_indirect_dma semaphore(%arg13 : memref<!tpu.dma_semaphore, #tpu.memory_space<semaphore_mem>>) src(%dma_wait3A_91 : memref<10000x128xf32, #tpu.memory_space<hbm>>) dst(%arg10 : memref<104x128xf32, #tpu.memory_space<vmem>>)
      %add3A_92 = arith.constant 1 : i32
      %add3A_93 = arith.addi %mul3A_69, %add3A_92 : i32
      %dma_start3A_94 = arith.constant 0 : i32
      %dma_start3A_95 = tpu.memref_slice %arg8[%add3A_93, %dma_start3A_94] : memref<97x104xi32, #tpu.memory_space<vmem>> -> memref<1x104xi32, #tpu.memory_space<vmem>>
      %dma_start3A_96 = tpu.memref_squeeze %dma_start3A_95 : memref<1x104xi32, #tpu.memory_space<vmem>> -> memref<104xi32, #tpu.memory_space<vmem>>
      %dma_start3A_97 = arith.constant 0 : i32
      %dma_start3A_98 = arith.constant 0 : i32
      %dma_start3A_99 = tpu.memref_slice %arg11[%dma_start3A_97, %dma_start3A_98] : memref<10008x128xf32, #tpu.memory_space<vmem_shared>> -> memref<10008x128xf32, #tpu.memory_space<vmem_shared>>
      tpu.enqueue_indirect_dma source(%arg10 : memref<104x128xf32, #tpu.memory_space<vmem>>) target(%dma_start3A_99 : memref<10008x128xf32, #tpu.memory_space<vmem_shared>>) offsets(%dma_start3A_96 : memref<104xi32, #tpu.memory_space<vmem>>) semaphore(%arg15 : memref<!tpu.dma_semaphore, #tpu.memory_space<semaphore_mem>>) {add = true}
      %dma_wait3A_100 = arith.constant 0 : i32
      %dma_wait3A_101 = tpu.memref_slice %arg8[%mul3A_69, %dma_wait3A_100] : memref<97x104xi32, #tpu.memory_space<vmem>> -> memref<1x104xi32, #tpu.memory_space<vmem>>
      %dma_wait3A_102 = tpu.memref_squeeze %dma_wait3A_101 : memref<1x104xi32, #tpu.memory_space<vmem>> -> memref<104xi32, #tpu.memory_space<vmem>>
      %dma_wait3A_103 = arith.constant 0 : i32
      %dma_wait3A_104 = arith.constant 0 : i32
      %dma_wait3A_105 = tpu.memref_slice %arg11[%dma_wait3A_103, %dma_wait3A_104] : memref<10008x128xf32, #tpu.memory_space<vmem_shared>> -> memref<10008x128xf32, #tpu.memory_space<vmem_shared>>
      tpu.wait_indirect_dma semaphore(%arg14 : memref<!tpu.dma_semaphore, #tpu.memory_space<semaphore_mem>>) src(%arg9 : memref<104x128xf32, #tpu.memory_space<vmem>>) dst(%dma_wait3A_105 : memref<10008x128xf32, #tpu.memory_space<vmem_shared>>)
      %add3A_106 = arith.constant 2 : i32
      %add3A_107 = arith.addi %mul3A_69, %add3A_106 : i32
      %mul3A_108 = arith.constant 104 : i32
      %mul3A_109 = arith.muli %add3A_107, %mul3A_108 : i32
      %multiple_of3A_110 = tpu.assume_multiple %mul3A_109, 8 : i32
      %dma_start3A_111 = tpu.memref_slice %arg7[%multiple_of3A_110] : memref<10088xi32, #tpu.memory_space<vmem>> -> memref<104xi32, #tpu.memory_space<vmem>>
      %dma_start3A_112 = arith.constant 0 : i32
      %dma_start3A_113 = arith.constant 0 : i32
      %dma_start3A_114 = tpu.memref_slice %arg2[%dma_start3A_112, %dma_start3A_113] : memref<10000x128xf32, #tpu.memory_space<hbm>> -> memref<10000x128xf32, #tpu.memory_space<hbm>>
      tpu.enqueue_indirect_dma source(%dma_start3A_114 : memref<10000x128xf32, #tpu.memory_space<hbm>>) target(%arg9 : memref<104x128xf32, #tpu.memory_space<vmem>>) offsets(%dma_start3A_111 : memref<104xi32, #tpu.memory_space<vmem>>) semaphore(%arg12 : memref<!tpu.dma_semaphore, #tpu.memory_space<semaphore_mem>>)
      %add3A_115 = arith.constant 1 : i32
      %add3A_116 = arith.addi %mul3A_69, %add3A_115 : i32
      %dma_wait3A_117 = arith.constant 0 : i32
      %dma_wait3A_118 = tpu.memref_slice %arg8[%add3A_116, %dma_wait3A_117] : memref<97x104xi32, #tpu.memory_space<vmem>> -> memref<1x104xi32, #tpu.memory_space<vmem>>
      %dma_wait3A_119 = tpu.memref_squeeze %dma_wait3A_118 : memref<1x104xi32, #tpu.memory_space<vmem>> -> memref<104xi32, #tpu.memory_space<vmem>>
      %dma_wait3A_120 = arith.constant 0 : i32
      %dma_wait3A_121 = arith.constant 0 : i32
      %dma_wait3A_122 = tpu.memref_slice %arg11[%dma_wait3A_120, %dma_wait3A_121] : memref<10008x128xf32, #tpu.memory_space<vmem_shared>> -> memref<10008x128xf32, #tpu.memory_space<vmem_shared>>
      tpu.wait_indirect_dma semaphore(%arg15 : memref<!tpu.dma_semaphore, #tpu.memory_space<semaphore_mem>>) src(%arg10 : memref<104x128xf32, #tpu.memory_space<vmem>>) dst(%dma_wait3A_122 : memref<10008x128xf32, #tpu.memory_space<vmem_shared>>)
      %add3A_123 = arith.constant 3 : i32
      %add3A_124 = arith.addi %mul3A_69, %add3A_123 : i32
      %lt3A = arith.constant 97 : i32
      %lt3A_125 = arith.cmpi slt, %add3A_124, %lt3A : i32
      %convert_element_type3A_126 = arith.extui %lt3A_125 : i1 to i32
      %cond3A_127 = arith.constant 0 : i32
      %cond3A_128 = arith.cmpi ne, %convert_element_type3A_126, %cond3A_127 : i32
      scf.if %cond3A_128 {
        %add3A_129 = arith.constant 3 : i32
        %add3A_130 = arith.addi %mul3A_69, %add3A_129 : i32
        %mul3A_131 = arith.constant 104 : i32
        %mul3A_132 = arith.muli %add3A_130, %mul3A_131 : i32
        %multiple_of3A_133 = tpu.assume_multiple %mul3A_132, 8 : i32
        %dma_start3A_134 = tpu.memref_slice %arg7[%multiple_of3A_133] : memref<10088xi32, #tpu.memory_space<vmem>> -> memref<104xi32, #tpu.memory_space<vmem>>
        %dma_start3A_135 = arith.constant 0 : i32
        %dma_start3A_136 = arith.constant 0 : i32
        %dma_start3A_137 = tpu.memref_slice %arg2[%dma_start3A_135, %dma_start3A_136] : memref<10000x128xf32, #tpu.memory_space<hbm>> -> memref<10000x128xf32, #tpu.memory_space<hbm>>
        tpu.enqueue_indirect_dma source(%dma_start3A_137 : memref<10000x128xf32, #tpu.memory_space<hbm>>) target(%arg10 : memref<104x128xf32, #tpu.memory_space<vmem>>) offsets(%dma_start3A_134 : memref<104xi32, #tpu.memory_space<vmem>>) semaphore(%arg13 : memref<!tpu.dma_semaphore, #tpu.memory_space<semaphore_mem>>)
      } else {
      }
    }
    %scan3A_50 = arith.constant 48 : i32
    %multiple_of3A_51 = arith.constant 9984 : i32
    %multiple_of3A_52 = tpu.assume_multiple %multiple_of3A_51, 8 : i32
    %dma_wait3A_53 = tpu.memref_slice %arg7[%multiple_of3A_52] : memref<10088xi32, #tpu.memory_space<vmem>> -> memref<104xi32, #tpu.memory_space<vmem>>
    %dma_wait3A_54 = arith.constant 0 : i32
    %dma_wait3A_55 = arith.constant 0 : i32
    %dma_wait3A_56 = tpu.memref_slice %arg2[%dma_wait3A_54, %dma_wait3A_55] : memref<10000x128xf32, #tpu.memory_space<hbm>> -> memref<10000x128xf32, #tpu.memory_space<hbm>>
    tpu.wait_indirect_dma semaphore(%arg12 : memref<!tpu.dma_semaphore, #tpu.memory_space<semaphore_mem>>) src(%dma_wait3A_56 : memref<10000x128xf32, #tpu.memory_space<hbm>>) dst(%arg9 : memref<104x128xf32, #tpu.memory_space<vmem>>)
    %run_scoped3A = arith.constant 96 : i32
    "tpu.region"() ({
      %run_scoped3A_67 = tpu.sem_alloc : memref<!tpu.dma_semaphore, #tpu.memory_space<semaphore_mem>>
      %dma_start3A_68 = arith.constant 0 : i32
      %dma_start3A_69 = tpu.memref_slice %arg8[%run_scoped3A, %dma_start3A_68] : memref<97x104xi32, #tpu.memory_space<vmem>> -> memref<1x104xi32, #tpu.memory_space<vmem>>
      %dma_start3A_70 = tpu.memref_squeeze %dma_start3A_69 : memref<1x104xi32, #tpu.memory_space<vmem>> -> memref<104xi32, #tpu.memory_space<vmem>>
      %dma_start3A_71 = arith.constant 0 : i32
      %dma_start3A_72 = arith.constant 0 : i32
      %dma_start3A_73 = tpu.memref_slice %arg11[%dma_start3A_71, %dma_start3A_72] : memref<10008x128xf32, #tpu.memory_space<vmem_shared>> -> memref<10008x128xf32, #tpu.memory_space<vmem_shared>>
      tpu.enqueue_indirect_dma source(%arg9 : memref<104x128xf32, #tpu.memory_space<vmem>>) target(%dma_start3A_73 : memref<10008x128xf32, #tpu.memory_space<vmem_shared>>) offsets(%dma_start3A_70 : memref<104xi32, #tpu.memory_space<vmem>>) semaphore(%run_scoped3A_67 : memref<!tpu.dma_semaphore, #tpu.memory_space<semaphore_mem>>) {add = true}
      %dma_wait3A_74 = arith.constant 0 : i32
      %dma_wait3A_75 = tpu.memref_slice %arg8[%run_scoped3A, %dma_wait3A_74] : memref<97x104xi32, #tpu.memory_space<vmem>> -> memref<1x104xi32, #tpu.memory_space<vmem>>
      %dma_wait3A_76 = tpu.memref_squeeze %dma_wait3A_75 : memref<1x104xi32, #tpu.memory_space<vmem>> -> memref<104xi32, #tpu.memory_space<vmem>>
      %dma_wait3A_77 = arith.constant 0 : i32
      %dma_wait3A_78 = arith.constant 0 : i32
      %dma_wait3A_79 = tpu.memref_slice %arg11[%dma_wait3A_77, %dma_wait3A_78] : memref<10008x128xf32, #tpu.memory_space<vmem_shared>> -> memref<10008x128xf32, #tpu.memory_space<vmem_shared>>
      tpu.wait_indirect_dma semaphore(%run_scoped3A_67 : memref<!tpu.dma_semaphore, #tpu.memory_space<semaphore_mem>>) src(%arg9 : memref<104x128xf32, #tpu.memory_space<vmem>>) dst(%dma_wait3A_79 : memref<10008x128xf32, #tpu.memory_space<vmem_shared>>)
      tpu.yield
    }) : () -> ()
    %barrier3A_57 = arith.constant 0 : index
    tpu.barrier barrier_id(%barrier3A_57)
    %mul3A_58 = arith.constant 624 : i32
    %mul3A_59 = arith.muli %arg1, %mul3A_58 : i32
    %mul3A_60 = arith.constant 624 : i32
    %mul3A_61 = arith.muli %arg1, %mul3A_60 : i32
    "tpu.region"() ({
      %run_scoped3A_67 = tpu.sem_alloc : memref<!tpu.dma_semaphore, #tpu.memory_space<semaphore_mem>>
      %dma_start3A_68 = arith.constant 0 : i32
      %dma_start3A_69 = tpu.memref_slice %arg6[%arg0, %mul3A_61, %dma_start3A_68] : memref<2x10000x128xf32, #tpu.memory_space<hbm>> -> memref<1x624x128xf32, #tpu.memory_space<hbm>>
      %dma_start3A_70 = tpu.memref_squeeze %dma_start3A_69 : memref<1x624x128xf32, #tpu.memory_space<hbm>> -> memref<624x128xf32, #tpu.memory_space<hbm>>
      %dma_start3A_71 = arith.constant 0 : i32
      %dma_start3A_72 = tpu.memref_slice %arg11[%mul3A_59, %dma_start3A_71] : memref<10008x128xf32, #tpu.memory_space<vmem_shared>> -> memref<624x128xf32, #tpu.memory_space<vmem_shared>>
      tpu.enqueue_dma source(%dma_start3A_72 : memref<624x128xf32, #tpu.memory_space<vmem_shared>>) target(%dma_start3A_70 : memref<624x128xf32, #tpu.memory_space<hbm>>) target_semaphore(%run_scoped3A_67 : memref<!tpu.dma_semaphore, #tpu.memory_space<semaphore_mem>>)
      %dma_wait3A_73 = arith.constant 0 : i32
      %dma_wait3A_74 = tpu.memref_slice %arg6[%arg0, %mul3A_61, %dma_wait3A_73] : memref<2x10000x128xf32, #tpu.memory_space<hbm>> -> memref<1x624x128xf32, #tpu.memory_space<hbm>>
      %dma_wait3A_75 = tpu.memref_squeeze %dma_wait3A_74 : memref<1x624x128xf32, #tpu.memory_space<hbm>> -> memref<624x128xf32, #tpu.memory_space<hbm>>
      %dma_wait3A_76 = arith.constant 0 : i32
      %dma_wait3A_77 = tpu.memref_slice %arg11[%mul3A_59, %dma_wait3A_76] : memref<10008x128xf32, #tpu.memory_space<vmem_shared>> -> memref<624x128xf32, #tpu.memory_space<vmem_shared>>
      tpu.wait_dma2 semaphore(%run_scoped3A_67 : memref<!tpu.dma_semaphore, #tpu.memory_space<semaphore_mem>>) src(%dma_wait3A_77 : memref<624x128xf32, #tpu.memory_space<vmem_shared>>) dst(%dma_wait3A_75 : memref<624x128xf32, #tpu.memory_space<hbm>>)
      tpu.yield
    }) : () -> ()
    %eq3A_62 = arith.constant 15 : i32
    %eq3A_63 = arith.cmpi eq, %arg1, %eq3A_62 : i32
    %convert_element_type3A_64 = arith.extui %eq3A_63 : i1 to i32
    %cond3A_65 = arith.constant 0 : i32
    %cond3A_66 = arith.cmpi ne, %convert_element_type3A_64, %cond3A_65 : i32
    scf.if %cond3A_66 {
      "tpu.region"() ({
        %run_scoped3A_67 = tpu.sem_alloc : memref<!tpu.dma_semaphore, #tpu.memory_space<semaphore_mem>>
        %dma_start3A_68 = arith.constant 9984 : i32
        %dma_start3A_69 = arith.constant 0 : i32
        %dma_start3A_70 = tpu.memref_slice %arg6[%arg0, %dma_start3A_68, %dma_start3A_69] : memref<2x10000x128xf32, #tpu.memory_space<hbm>> -> memref<1x16x128xf32, #tpu.memory_space<hbm>>
        %dma_start3A_71 = tpu.memref_squeeze %dma_start3A_70 : memref<1x16x128xf32, #tpu.memory_space<hbm>> -> memref<16x128xf32, #tpu.memory_space<hbm>>
        %dma_start3A_72 = arith.constant 9984 : i32
        %dma_start3A_73 = arith.constant 0 : i32
        %dma_start3A_74 = tpu.memref_slice %arg11[%dma_start3A_72, %dma_start3A_73] : memref<10008x128xf32, #tpu.memory_space<vmem_shared>> -> memref<16x128xf32, #tpu.memory_space<vmem_shared>>
        tpu.enqueue_dma source(%dma_start3A_74 : memref<16x128xf32, #tpu.memory_space<vmem_shared>>) target(%dma_start3A_71 : memref<16x128xf32, #tpu.memory_space<hbm>>) target_semaphore(%run_scoped3A_67 : memref<!tpu.dma_semaphore, #tpu.memory_space<semaphore_mem>>)
        %dma_wait3A_75 = arith.constant 9984 : i32
        %dma_wait3A_76 = arith.constant 0 : i32
        %dma_wait3A_77 = tpu.memref_slice %arg6[%arg0, %dma_wait3A_75, %dma_wait3A_76] : memref<2x10000x128xf32, #tpu.memory_space<hbm>> -> memref<1x16x128xf32, #tpu.memory_space<hbm>>
        %dma_wait3A_78 = tpu.memref_squeeze %dma_wait3A_77 : memref<1x16x128xf32, #tpu.memory_space<hbm>> -> memref<16x128xf32, #tpu.memory_space<hbm>>
        %dma_wait3A_79 = arith.constant 9984 : i32
        %dma_wait3A_80 = arith.constant 0 : i32
        %dma_wait3A_81 = tpu.memref_slice %arg11[%dma_wait3A_79, %dma_wait3A_80] : memref<10008x128xf32, #tpu.memory_space<vmem_shared>> -> memref<16x128xf32, #tpu.memory_space<vmem_shared>>
        tpu.wait_dma2 semaphore(%run_scoped3A_67 : memref<!tpu.dma_semaphore, #tpu.memory_space<semaphore_mem>>) src(%dma_wait3A_81 : memref<16x128xf32, #tpu.memory_space<vmem_shared>>) dst(%dma_wait3A_78 : memref<16x128xf32, #tpu.memory_space<hbm>>)
        tpu.yield
      }) : () -> ()
    } else {
    }
    return
  }
}

#map = affine_map<(d0, d1) -> (0, 0, 0)>
module attributes {stable_mosaic.version = 14 : i64} {
  func.func @_hist_body(%arg0: i32, %arg1: i32, %arg2: memref<32x625x16xi32, #tpu.memory_space<hbm>>, %arg3: memref<32x1x10000xf32, #tpu.memory_space<hbm>>, %arg4: memref<625x16xi32, #tpu.memory_space<vmem>>, %arg5: memref<10000xf32, #tpu.memory_space<vmem>>, %arg6: memref<!tpu.dma_semaphore, #tpu.memory_space<semaphore_mem>>) attributes {dimension_semantics = [#tpu.dimension_semantics<core_parallel>, #tpu.dimension_semantics<subcore_parallel>], iteration_bounds = array<i64: 2, 16>, scalar_prefetch = 0 : i64, scratch_operands = 3 : i64, tpu.core_type = #tpu.core_type<sc_vector_subcore>, window_params = [{transform_indices = #map}, {transform_indices = #map}]} {
    %mul3A = arith.constant 16 : i32
    %mul3A_0 = arith.muli %arg0, %mul3A : i32
    %add3A = arith.addi %mul3A_0, %arg1 : i32
    %dma_start3A = arith.constant 0 : i32
    %dma_start3A_1 = arith.constant 0 : i32
    %dma_start3A_2 = tpu.memref_slice %arg2[%add3A, %dma_start3A, %dma_start3A_1] : memref<32x625x16xi32, #tpu.memory_space<hbm>> -> memref<1x625x16xi32, #tpu.memory_space<hbm>>
    %dma_start3A_3 = tpu.memref_squeeze %dma_start3A_2 : memref<1x625x16xi32, #tpu.memory_space<hbm>> -> memref<625x16xi32, #tpu.memory_space<hbm>>
    %dma_start3A_4 = arith.constant 0 : i32
    %dma_start3A_5 = arith.constant 0 : i32
    %dma_start3A_6 = tpu.memref_slice %arg2[%add3A, %dma_start3A_4, %dma_start3A_5] : memref<32x625x16xi32, #tpu.memory_space<hbm>> -> memref<1x625x16xi32, #tpu.memory_space<hbm>>
    %dma_start3A_7 = tpu.memref_squeeze %dma_start3A_6 : memref<1x625x16xi32, #tpu.memory_space<hbm>> -> memref<625x16xi32, #tpu.memory_space<hbm>>
    tpu.enqueue_dma source(%dma_start3A_7 : memref<625x16xi32, #tpu.memory_space<hbm>>) target(%arg4 : memref<625x16xi32, #tpu.memory_space<vmem>>) target_semaphore(%arg6 : memref<!tpu.dma_semaphore, #tpu.memory_space<semaphore_mem>>)
    %dma_wait3A = arith.constant 0 : i32
    %dma_wait3A_8 = arith.constant 0 : i32
    %dma_wait3A_9 = tpu.memref_slice %arg2[%add3A, %dma_wait3A, %dma_wait3A_8] : memref<32x625x16xi32, #tpu.memory_space<hbm>> -> memref<1x625x16xi32, #tpu.memory_space<hbm>>
    %dma_wait3A_10 = tpu.memref_squeeze %dma_wait3A_9 : memref<1x625x16xi32, #tpu.memory_space<hbm>> -> memref<625x16xi32, #tpu.memory_space<hbm>>
    %dma_wait3A_11 = arith.constant 0 : i32
    %dma_wait3A_12 = arith.constant 0 : i32
    %dma_wait3A_13 = tpu.memref_slice %arg2[%add3A, %dma_wait3A_11, %dma_wait3A_12] : memref<32x625x16xi32, #tpu.memory_space<hbm>> -> memref<1x625x16xi32, #tpu.memory_space<hbm>>
    %dma_wait3A_14 = tpu.memref_squeeze %dma_wait3A_13 : memref<1x625x16xi32, #tpu.memory_space<hbm>> -> memref<625x16xi32, #tpu.memory_space<hbm>>
    tpu.wait_dma2 semaphore(%arg6 : memref<!tpu.dma_semaphore, #tpu.memory_space<semaphore_mem>>) src(%dma_wait3A_14 : memref<625x16xi32, #tpu.memory_space<hbm>>) dst(%arg4 : memref<625x16xi32, #tpu.memory_space<vmem>>)
    %broadcast_in_dim3A = arith.constant 0.000000e+00 : f32
    %broadcast_in_dim3A_15 = vector.broadcast %broadcast_in_dim3A : f32 to vector<16xf32>
    %scan3A = arith.constant 0 : i32
    %scan3A_16 = arith.constant 0 : i32
    %scan3A_17 = arith.constant 625 : i32
    %scan3A_18 = arith.addi %scan3A_16, %scan3A_17 : i32
    %scan3A_19 = arith.constant 1 : i32
    scf.for %scan3A_43 = %scan3A_16 to %scan3A_18 step %scan3A_19  : i32 {
      %mul3A_44 = arith.constant 16 : i32
      %mul3A_45 = arith.muli %scan3A_43, %mul3A_44 : i32
      %swap3A = arith.index_cast %mul3A_45 : i32 to index
      %swap3A_46 = tpu.vector_load %arg5[%swap3A] {strides = array<i32>} : memref<10000xf32, #tpu.memory_space<vmem>>, vector<16xf32>,
      tpu.vector_store %arg5[%swap3A], %broadcast_in_dim3A_15 {strides = array<i32>} : memref<10000xf32, #tpu.memory_space<vmem>>, vector<16xf32>,
    }
    %scan3A_20 = arith.constant 625 : i32
    %broadcast_in_dim3A_21 = arith.constant 1.000000e+00 : f32
    %broadcast_in_dim3A_22 = vector.broadcast %broadcast_in_dim3A_21 : f32 to vector<16xf32>
    %scan3A_23 = arith.constant 0 : i32
    %scan3A_24 = arith.constant 0 : i32
    %scan3A_25 = arith.constant 625 : i32
    %scan3A_26 = arith.addi %scan3A_24, %scan3A_25 : i32
    %scan3A_27 = arith.constant 1 : i32
    scf.for %scan3A_43 = %scan3A_24 to %scan3A_26 step %scan3A_27  : i32 {
      %get3A = arith.index_cast %scan3A_43 : i32 to index
      %get3A_44 = arith.constant 0 : index
      %get3A_45 = tpu.vector_load %arg4[%get3A, %get3A_44] {strides = array<i32>} : memref<625x16xi32, #tpu.memory_space<vmem>>, vector<16xi32>,
      tpu.vector_store_idx %arg5[%get3A_45], %broadcast_in_dim3A_22 {add = true} : memref<10000xf32, #tpu.memory_space<vmem>>[vector<16xi32>], vector<16xf32>,
    }
    %scan3A_28 = arith.constant 625 : i32
    %dma_start3A_29 = arith.constant 0 : i32
    %dma_start3A_30 = arith.constant 0 : i32
    %dma_start3A_31 = tpu.memref_slice %arg3[%add3A, %dma_start3A_29, %dma_start3A_30] : memref<32x1x10000xf32, #tpu.memory_space<hbm>> -> memref<1x1x10000xf32, #tpu.memory_space<hbm>>
    %dma_start3A_32 = tpu.memref_squeeze %dma_start3A_31 : memref<1x1x10000xf32, #tpu.memory_space<hbm>> -> memref<10000xf32, #tpu.memory_space<hbm>>
    %dma_start3A_33 = arith.constant 0 : i32
    %dma_start3A_34 = tpu.memref_slice %arg3[%add3A, %dma_start3A_29, %dma_start3A_33] : memref<32x1x10000xf32, #tpu.memory_space<hbm>> -> memref<1x1x10000xf32, #tpu.memory_space<hbm>>
    %dma_start3A_35 = tpu.memref_squeeze %dma_start3A_34 : memref<1x1x10000xf32, #tpu.memory_space<hbm>> -> memref<10000xf32, #tpu.memory_space<hbm>>
    tpu.enqueue_dma source(%arg5 : memref<10000xf32, #tpu.memory_space<vmem>>) target(%dma_start3A_35 : memref<10000xf32, #tpu.memory_space<hbm>>) target_semaphore(%arg6 : memref<!tpu.dma_semaphore, #tpu.memory_space<semaphore_mem>>)
    %dma_wait3A_36 = arith.constant 0 : i32
    %dma_wait3A_37 = arith.constant 0 : i32
    %dma_wait3A_38 = tpu.memref_slice %arg3[%add3A, %dma_wait3A_36, %dma_wait3A_37] : memref<32x1x10000xf32, #tpu.memory_space<hbm>> -> memref<1x1x10000xf32, #tpu.memory_space<hbm>>
    %dma_wait3A_39 = tpu.memref_squeeze %dma_wait3A_38 : memref<1x1x10000xf32, #tpu.memory_space<hbm>> -> memref<10000xf32, #tpu.memory_space<hbm>>
    %dma_wait3A_40 = arith.constant 0 : i32
    %dma_wait3A_41 = tpu.memref_slice %arg3[%add3A, %dma_wait3A_36, %dma_wait3A_40] : memref<32x1x10000xf32, #tpu.memory_space<hbm>> -> memref<1x1x10000xf32, #tpu.memory_space<hbm>>
    %dma_wait3A_42 = tpu.memref_squeeze %dma_wait3A_41 : memref<1x1x10000xf32, #tpu.memory_space<hbm>> -> memref<10000xf32, #tpu.memory_space<hbm>>
    tpu.wait_dma2 semaphore(%arg6 : memref<!tpu.dma_semaphore, #tpu.memory_space<semaphore_mem>>) src(%arg5 : memref<10000xf32, #tpu.memory_space<vmem>>) dst(%dma_wait3A_42 : memref<10000xf32, #tpu.memory_space<hbm>>)
    return
  }
}

#map = affine_map<(d0, d1) -> (0, 0)>
#map1 = affine_map<(d0, d1) -> (0, 0, 0)>
module attributes {stable_mosaic.version = 14 : i64} {
  func.func @_agg_body(%arg0: i32, %arg1: i32, %arg2: memref<10000x128xf32, #tpu.memory_space<hbm>>, %arg3: memref<10000x128xf32, #tpu.memory_space<hbm>>, %arg4: memref<32x1x10088xi32, #tpu.memory_space<hbm>>, %arg5: memref<32x97x104xi32, #tpu.memory_space<hbm>>, %arg6: memref<2x10000x128xf32, #tpu.memory_space<hbm>>, %arg7: memref<10088xi32, #tpu.memory_space<vmem>>, %arg8: memref<97x104xi32, #tpu.memory_space<vmem>>, %arg9: memref<104x128xf32, #tpu.memory_space<vmem>>, %arg10: memref<104x128xf32, #tpu.memory_space<vmem>>, %arg11: memref<10008x128xf32, #tpu.memory_space<vmem_shared>>, %arg12: memref<!tpu.dma_semaphore, #tpu.memory_space<semaphore_mem>>, %arg13: memref<!tpu.dma_semaphore, #tpu.memory_space<semaphore_mem>>, %arg14: memref<!tpu.dma_semaphore, #tpu.memory_space<semaphore_mem>>, %arg15: memref<!tpu.dma_semaphore, #tpu.memory_space<semaphore_mem>>) attributes {dimension_semantics = [#tpu.dimension_semantics<core_parallel>, #tpu.dimension_semantics<subcore_parallel>], iteration_bounds = array<i64: 2, 16>, scalar_prefetch = 0 : i64, scratch_operands = 9 : i64, tpu.core_type = #tpu.core_type<sc_vector_subcore>, window_params = [{transform_indices = #map}, {transform_indices = #map}, {transform_indices = #map1}, {transform_indices = #map1}, {transform_indices = #map1}]} {
    %mul3A = arith.constant 16 : i32
    %mul3A_0 = arith.muli %arg0, %mul3A : i32
    %add3A = arith.addi %mul3A_0, %arg1 : i32
    %dma_start3A = arith.constant 0 : i32
    %dma_start3A_1 = arith.constant 0 : i32
    %dma_start3A_2 = tpu.memref_slice %arg4[%add3A, %dma_start3A, %dma_start3A_1] : memref<32x1x10088xi32, #tpu.memory_space<hbm>> -> memref<1x1x10088xi32, #tpu.memory_space<hbm>>
    %dma_start3A_3 = tpu.memref_squeeze %dma_start3A_2 : memref<1x1x10088xi32, #tpu.memory_space<hbm>> -> memref<10088xi32, #tpu.memory_space<hbm>>
    %dma_start3A_4 = arith.constant 0 : i32
    %dma_start3A_5 = tpu.memref_slice %arg4[%add3A, %dma_start3A, %dma_start3A_4] : memref<32x1x10088xi32, #tpu.memory_space<hbm>> -> memref<1x1x10088xi32, #tpu.memory_space<hbm>>
    %dma_start3A_6 = tpu.memref_squeeze %dma_start3A_5 : memref<1x1x10088xi32, #tpu.memory_space<hbm>> -> memref<10088xi32, #tpu.memory_space<hbm>>
    tpu.enqueue_dma source(%dma_start3A_6 : memref<10088xi32, #tpu.memory_space<hbm>>) target(%arg7 : memref<10088xi32, #tpu.memory_space<vmem>>) target_semaphore(%arg12 : memref<!tpu.dma_semaphore, #tpu.memory_space<semaphore_mem>>)
    %dma_wait3A = arith.constant 0 : i32
    %dma_wait3A_7 = arith.constant 0 : i32
    %dma_wait3A_8 = tpu.memref_slice %arg4[%add3A, %dma_wait3A, %dma_wait3A_7] : memref<32x1x10088xi32, #tpu.memory_space<hbm>> -> memref<1x1x10088xi32, #tpu.memory_space<hbm>>
    %dma_wait3A_9 = tpu.memref_squeeze %dma_wait3A_8 : memref<1x1x10088xi32, #tpu.memory_space<hbm>> -> memref<10088xi32, #tpu.memory_space<hbm>>
    %dma_wait3A_10 = arith.constant 0 : i32
    %dma_wait3A_11 = tpu.memref_slice %arg4[%add3A, %dma_wait3A, %dma_wait3A_10] : memref<32x1x10088xi32, #tpu.memory_space<hbm>> -> memref<1x1x10088xi32, #tpu.memory_space<hbm>>
    %dma_wait3A_12 = tpu.memref_squeeze %dma_wait3A_11 : memref<1x1x10088xi32, #tpu.memory_space<hbm>> -> memref<10088xi32, #tpu.memory_space<hbm>>
    tpu.wait_dma2 semaphore(%arg12 : memref<!tpu.dma_semaphore, #tpu.memory_space<semaphore_mem>>) src(%dma_wait3A_12 : memref<10088xi32, #tpu.memory_space<hbm>>) dst(%arg7 : memref<10088xi32, #tpu.memory_space<vmem>>)
    %dma_start3A_13 = arith.constant 0 : i32
    %dma_start3A_14 = arith.constant 0 : i32
    %dma_start3A_15 = tpu.memref_slice %arg5[%add3A, %dma_start3A_13, %dma_start3A_14] : memref<32x97x104xi32, #tpu.memory_space<hbm>> -> memref<1x97x104xi32, #tpu.memory_space<hbm>>
    %dma_start3A_16 = tpu.memref_squeeze %dma_start3A_15 : memref<1x97x104xi32, #tpu.memory_space<hbm>> -> memref<97x104xi32, #tpu.memory_space<hbm>>
    %dma_start3A_17 = arith.constant 0 : i32
    %dma_start3A_18 = arith.constant 0 : i32
    %dma_start3A_19 = tpu.memref_slice %arg5[%add3A, %dma_start3A_17, %dma_start3A_18] : memref<32x97x104xi32, #tpu.memory_space<hbm>> -> memref<1x97x104xi32, #tpu.memory_space<hbm>>
    %dma_start3A_20 = tpu.memref_squeeze %dma_start3A_19 : memref<1x97x104xi32, #tpu.memory_space<hbm>> -> memref<97x104xi32, #tpu.memory_space<hbm>>
    tpu.enqueue_dma source(%dma_start3A_20 : memref<97x104xi32, #tpu.memory_space<hbm>>) target(%arg8 : memref<97x104xi32, #tpu.memory_space<vmem>>) target_semaphore(%arg12 : memref<!tpu.dma_semaphore, #tpu.memory_space<semaphore_mem>>)
    %dma_wait3A_21 = arith.constant 0 : i32
    %dma_wait3A_22 = arith.constant 0 : i32
    %dma_wait3A_23 = tpu.memref_slice %arg5[%add3A, %dma_wait3A_21, %dma_wait3A_22] : memref<32x97x104xi32, #tpu.memory_space<hbm>> -> memref<1x97x104xi32, #tpu.memory_space<hbm>>
    %dma_wait3A_24 = tpu.memref_squeeze %dma_wait3A_23 : memref<1x97x104xi32, #tpu.memory_space<hbm>> -> memref<97x104xi32, #tpu.memory_space<hbm>>
    %dma_wait3A_25 = arith.constant 0 : i32
    %dma_wait3A_26 = arith.constant 0 : i32
    %dma_wait3A_27 = tpu.memref_slice %arg5[%add3A, %dma_wait3A_25, %dma_wait3A_26] : memref<32x97x104xi32, #tpu.memory_space<hbm>> -> memref<1x97x104xi32, #tpu.memory_space<hbm>>
    %dma_wait3A_28 = tpu.memref_squeeze %dma_wait3A_27 : memref<1x97x104xi32, #tpu.memory_space<hbm>> -> memref<97x104xi32, #tpu.memory_space<hbm>>
    tpu.wait_dma2 semaphore(%arg12 : memref<!tpu.dma_semaphore, #tpu.memory_space<semaphore_mem>>) src(%dma_wait3A_28 : memref<97x104xi32, #tpu.memory_space<hbm>>) dst(%arg8 : memref<97x104xi32, #tpu.memory_space<vmem>>)
    %mul3A_29 = arith.constant 624 : i32
    %mul3A_30 = arith.muli %arg1, %mul3A_29 : i32
    %mul3A_31 = arith.constant 624 : i32
    %mul3A_32 = arith.muli %arg1, %mul3A_31 : i32
    "tpu.region"() ({
      %run_scoped3A_67 = tpu.sem_alloc : memref<!tpu.dma_semaphore, #tpu.memory_space<semaphore_mem>>
      %dma_start3A_68 = arith.constant 0 : i32
      %dma_start3A_69 = tpu.memref_slice %arg11[%mul3A_32, %dma_start3A_68] : memref<10008x128xf32, #tpu.memory_space<vmem_shared>> -> memref<624x128xf32, #tpu.memory_space<vmem_shared>>
      %dma_start3A_70 = arith.constant 0 : i32
      %dma_start3A_71 = tpu.memref_slice %arg3[%mul3A_30, %dma_start3A_70] : memref<10000x128xf32, #tpu.memory_space<hbm>> -> memref<624x128xf32, #tpu.memory_space<hbm>>
      tpu.enqueue_dma source(%dma_start3A_71 : memref<624x128xf32, #tpu.memory_space<hbm>>) target(%dma_start3A_69 : memref<624x128xf32, #tpu.memory_space<vmem_shared>>) target_semaphore(%run_scoped3A_67 : memref<!tpu.dma_semaphore, #tpu.memory_space<semaphore_mem>>)
      %dma_wait3A_72 = arith.constant 0 : i32
      %dma_wait3A_73 = tpu.memref_slice %arg11[%mul3A_32, %dma_wait3A_72] : memref<10008x128xf32, #tpu.memory_space<vmem_shared>> -> memref<624x128xf32, #tpu.memory_space<vmem_shared>>
      %dma_wait3A_74 = arith.constant 0 : i32
      %dma_wait3A_75 = tpu.memref_slice %arg3[%mul3A_30, %dma_wait3A_74] : memref<10000x128xf32, #tpu.memory_space<hbm>> -> memref<624x128xf32, #tpu.memory_space<hbm>>
      tpu.wait_dma2 semaphore(%run_scoped3A_67 : memref<!tpu.dma_semaphore, #tpu.memory_space<semaphore_mem>>) src(%dma_wait3A_75 : memref<624x128xf32, #tpu.memory_space<hbm>>) dst(%dma_wait3A_73 : memref<624x128xf32, #tpu.memory_space<vmem_shared>>)
      tpu.yield
    }) : () -> ()
    %eq3A = arith.constant 15 : i32
    %eq3A_33 = arith.cmpi eq, %arg1, %eq3A : i32
    %convert_element_type3A = arith.extui %eq3A_33 : i1 to i32
    %cond3A = arith.constant 0 : i32
    %cond3A_34 = arith.cmpi ne, %convert_element_type3A, %cond3A : i32
    scf.if %cond3A_34 {
      "tpu.region"() ({
        %run_scoped3A_67 = tpu.sem_alloc : memref<!tpu.dma_semaphore, #tpu.memory_space<semaphore_mem>>
        %dma_start3A_68 = arith.constant 9984 : i32
        %dma_start3A_69 = arith.constant 0 : i32
        %dma_start3A_70 = tpu.memref_slice %arg11[%dma_start3A_68, %dma_start3A_69] : memref<10008x128xf32, #tpu.memory_space<vmem_shared>> -> memref<16x128xf32, #tpu.memory_space<vmem_shared>>
        %dma_start3A_71 = arith.constant 9984 : i32
        %dma_start3A_72 = arith.constant 0 : i32
        %dma_start3A_73 = tpu.memref_slice %arg3[%dma_start3A_71, %dma_start3A_72] : memref<10000x128xf32, #tpu.memory_space<hbm>> -> memref<16x128xf32, #tpu.memory_space<hbm>>
        tpu.enqueue_dma source(%dma_start3A_73 : memref<16x128xf32, #tpu.memory_space<hbm>>) target(%dma_start3A_70 : memref<16x128xf32, #tpu.memory_space<vmem_shared>>) target_semaphore(%run_scoped3A_67 : memref<!tpu.dma_semaphore, #tpu.memory_space<semaphore_mem>>)
        %dma_wait3A_74 = arith.constant 9984 : i32
        %dma_wait3A_75 = arith.constant 0 : i32
        %dma_wait3A_76 = tpu.memref_slice %arg11[%dma_wait3A_74, %dma_wait3A_75] : memref<10008x128xf32, #tpu.memory_space<vmem_shared>> -> memref<16x128xf32, #tpu.memory_space<vmem_shared>>
        %dma_wait3A_77 = arith.constant 9984 : i32
        %dma_wait3A_78 = arith.constant 0 : i32
        %dma_wait3A_79 = tpu.memref_slice %arg3[%dma_wait3A_77, %dma_wait3A_78] : memref<10000x128xf32, #tpu.memory_space<hbm>> -> memref<16x128xf32, #tpu.memory_space<hbm>>
        tpu.wait_dma2 semaphore(%run_scoped3A_67 : memref<!tpu.dma_semaphore, #tpu.memory_space<semaphore_mem>>) src(%dma_wait3A_79 : memref<16x128xf32, #tpu.memory_space<hbm>>) dst(%dma_wait3A_76 : memref<16x128xf32, #tpu.memory_space<vmem_shared>>)
        tpu.yield
      }) : () -> ()
    } else {
    }
    %barrier3A = arith.constant 0 : index
    tpu.barrier barrier_id(%barrier3A)
    %multiple_of3A = arith.constant 0 : i32
    %multiple_of3A_35 = tpu.assume_multiple %multiple_of3A, 8 : i32
    %dma_start3A_36 = tpu.memref_slice %arg7[%multiple_of3A_35] : memref<10088xi32, #tpu.memory_space<vmem>> -> memref<104xi32, #tpu.memory_space<vmem>>
    %dma_start3A_37 = arith.constant 0 : i32
    %dma_start3A_38 = arith.constant 0 : i32
    %dma_start3A_39 = tpu.memref_slice %arg2[%dma_start3A_37, %dma_start3A_38] : memref<10000x128xf32, #tpu.memory_space<hbm>> -> memref<10000x128xf32, #tpu.memory_space<hbm>>
    tpu.enqueue_indirect_dma source(%dma_start3A_39 : memref<10000x128xf32, #tpu.memory_space<hbm>>) target(%arg9 : memref<104x128xf32, #tpu.memory_space<vmem>>) offsets(%dma_start3A_36 : memref<104xi32, #tpu.memory_space<vmem>>) semaphore(%arg12 : memref<!tpu.dma_semaphore, #tpu.memory_space<semaphore_mem>>)
    %multiple_of3A_40 = arith.constant 104 : i32
    %multiple_of3A_41 = tpu.assume_multiple %multiple_of3A_40, 8 : i32
    %dma_start3A_42 = tpu.memref_slice %arg7[%multiple_of3A_41] : memref<10088xi32, #tpu.memory_space<vmem>> -> memref<104xi32, #tpu.memory_space<vmem>>
    %dma_start3A_43 = arith.constant 0 : i32
    %dma_start3A_44 = arith.constant 0 : i32
    %dma_start3A_45 = tpu.memref_slice %arg2[%dma_start3A_43, %dma_start3A_44] : memref<10000x128xf32, #tpu.memory_space<hbm>> -> memref<10000x128xf32, #tpu.memory_space<hbm>>
    tpu.enqueue_indirect_dma source(%dma_start3A_45 : memref<10000x128xf32, #tpu.memory_space<hbm>>) target(%arg10 : memref<104x128xf32, #tpu.memory_space<vmem>>) offsets(%dma_start3A_42 : memref<104xi32, #tpu.memory_space<vmem>>) semaphore(%arg13 : memref<!tpu.dma_semaphore, #tpu.memory_space<semaphore_mem>>)
    %scan3A = arith.constant 0 : i32
    %scan3A_46 = arith.constant 0 : i32
    %scan3A_47 = arith.constant 48 : i32
    %scan3A_48 = arith.addi %scan3A_46, %scan3A_47 : i32
    %scan3A_49 = arith.constant 1 : i32
    scf.for %scan3A_67 = %scan3A_46 to %scan3A_48 step %scan3A_49  : i32 {
      %mul3A_68 = arith.constant 2 : i32
      %mul3A_69 = arith.muli %mul3A_68, %scan3A_67 : i32
      %mul3A_70 = arith.constant 104 : i32
      %mul3A_71 = arith.muli %mul3A_69, %mul3A_70 : i32
      %multiple_of3A_72 = tpu.assume_multiple %mul3A_71, 8 : i32
      %dma_wait3A_73 = tpu.memref_slice %arg7[%multiple_of3A_72] : memref<10088xi32, #tpu.memory_space<vmem>> -> memref<104xi32, #tpu.memory_space<vmem>>
      %dma_wait3A_74 = arith.constant 0 : i32
      %dma_wait3A_75 = arith.constant 0 : i32
      %dma_wait3A_76 = tpu.memref_slice %arg2[%dma_wait3A_74, %dma_wait3A_75] : memref<10000x128xf32, #tpu.memory_space<hbm>> -> memref<10000x128xf32, #tpu.memory_space<hbm>>
      tpu.wait_indirect_dma semaphore(%arg12 : memref<!tpu.dma_semaphore, #tpu.memory_space<semaphore_mem>>) src(%dma_wait3A_76 : memref<10000x128xf32, #tpu.memory_space<hbm>>) dst(%arg9 : memref<104x128xf32, #tpu.memory_space<vmem>>)
      %dma_start3A_77 = arith.constant 0 : i32
      %dma_start3A_78 = tpu.memref_slice %arg8[%mul3A_69, %dma_start3A_77] : memref<97x104xi32, #tpu.memory_space<vmem>> -> memref<1x104xi32, #tpu.memory_space<vmem>>
      %dma_start3A_79 = tpu.memref_squeeze %dma_start3A_78 : memref<1x104xi32, #tpu.memory_space<vmem>> -> memref<104xi32, #tpu.memory_space<vmem>>
      %dma_start3A_80 = arith.constant 0 : i32
      %dma_start3A_81 = arith.constant 0 : i32
      %dma_start3A_82 = tpu.memref_slice %arg11[%dma_start3A_80, %dma_start3A_81] : memref<10008x128xf32, #tpu.memory_space<vmem_shared>> -> memref<10008x128xf32, #tpu.memory_space<vmem_shared>>
      tpu.enqueue_indirect_dma source(%arg9 : memref<104x128xf32, #tpu.memory_space<vmem>>) target(%dma_start3A_82 : memref<10008x128xf32, #tpu.memory_space<vmem_shared>>) offsets(%dma_start3A_79 : memref<104xi32, #tpu.memory_space<vmem>>) semaphore(%arg14 : memref<!tpu.dma_semaphore, #tpu.memory_space<semaphore_mem>>) {add = true}
      %add3A_83 = arith.constant 1 : i32
      %add3A_84 = arith.addi %mul3A_69, %add3A_83 : i32
      %mul3A_85 = arith.constant 104 : i32
      %mul3A_86 = arith.muli %add3A_84, %mul3A_85 : i32
      %multiple_of3A_87 = tpu.assume_multiple %mul3A_86, 8 : i32
      %dma_wait3A_88 = tpu.memref_slice %arg7[%multiple_of3A_87] : memref<10088xi32, #tpu.memory_space<vmem>> -> memref<104xi32, #tpu.memory_space<vmem>>
      %dma_wait3A_89 = arith.constant 0 : i32
      %dma_wait3A_90 = arith.constant 0 : i32
      %dma_wait3A_91 = tpu.memref_slice %arg2[%dma_wait3A_89, %dma_wait3A_90] : memref<10000x128xf32, #tpu.memory_space<hbm>> -> memref<10000x128xf32, #tpu.memory_space<hbm>>
      tpu.wait_indirect_dma semaphore(%arg13 : memref<!tpu.dma_semaphore, #tpu.memory_space<semaphore_mem>>) src(%dma_wait3A_91 : memref<10000x128xf32, #tpu.memory_space<hbm>>) dst(%arg10 : memref<104x128xf32, #tpu.memory_space<vmem>>)
      %add3A_92 = arith.constant 1 : i32
      %add3A_93 = arith.addi %mul3A_69, %add3A_92 : i32
      %dma_start3A_94 = arith.constant 0 : i32
      %dma_start3A_95 = tpu.memref_slice %arg8[%add3A_93, %dma_start3A_94] : memref<97x104xi32, #tpu.memory_space<vmem>> -> memref<1x104xi32, #tpu.memory_space<vmem>>
      %dma_start3A_96 = tpu.memref_squeeze %dma_start3A_95 : memref<1x104xi32, #tpu.memory_space<vmem>> -> memref<104xi32, #tpu.memory_space<vmem>>
      %dma_start3A_97 = arith.constant 0 : i32
      %dma_start3A_98 = arith.constant 0 : i32
      %dma_start3A_99 = tpu.memref_slice %arg11[%dma_start3A_97, %dma_start3A_98] : memref<10008x128xf32, #tpu.memory_space<vmem_shared>> -> memref<10008x128xf32, #tpu.memory_space<vmem_shared>>
      tpu.enqueue_indirect_dma source(%arg10 : memref<104x128xf32, #tpu.memory_space<vmem>>) target(%dma_start3A_99 : memref<10008x128xf32, #tpu.memory_space<vmem_shared>>) offsets(%dma_start3A_96 : memref<104xi32, #tpu.memory_space<vmem>>) semaphore(%arg15 : memref<!tpu.dma_semaphore, #tpu.memory_space<semaphore_mem>>) {add = true}
      %dma_wait3A_100 = arith.constant 0 : i32
      %dma_wait3A_101 = tpu.memref_slice %arg8[%mul3A_69, %dma_wait3A_100] : memref<97x104xi32, #tpu.memory_space<vmem>> -> memref<1x104xi32, #tpu.memory_space<vmem>>
      %dma_wait3A_102 = tpu.memref_squeeze %dma_wait3A_101 : memref<1x104xi32, #tpu.memory_space<vmem>> -> memref<104xi32, #tpu.memory_space<vmem>>
      %dma_wait3A_103 = arith.constant 0 : i32
      %dma_wait3A_104 = arith.constant 0 : i32
      %dma_wait3A_105 = tpu.memref_slice %arg11[%dma_wait3A_103, %dma_wait3A_104] : memref<10008x128xf32, #tpu.memory_space<vmem_shared>> -> memref<10008x128xf32, #tpu.memory_space<vmem_shared>>
      tpu.wait_indirect_dma semaphore(%arg14 : memref<!tpu.dma_semaphore, #tpu.memory_space<semaphore_mem>>) src(%arg9 : memref<104x128xf32, #tpu.memory_space<vmem>>) dst(%dma_wait3A_105 : memref<10008x128xf32, #tpu.memory_space<vmem_shared>>)
      %add3A_106 = arith.constant 2 : i32
      %add3A_107 = arith.addi %mul3A_69, %add3A_106 : i32
      %mul3A_108 = arith.constant 104 : i32
      %mul3A_109 = arith.muli %add3A_107, %mul3A_108 : i32
      %multiple_of3A_110 = tpu.assume_multiple %mul3A_109, 8 : i32
      %dma_start3A_111 = tpu.memref_slice %arg7[%multiple_of3A_110] : memref<10088xi32, #tpu.memory_space<vmem>> -> memref<104xi32, #tpu.memory_space<vmem>>
      %dma_start3A_112 = arith.constant 0 : i32
      %dma_start3A_113 = arith.constant 0 : i32
      %dma_start3A_114 = tpu.memref_slice %arg2[%dma_start3A_112, %dma_start3A_113] : memref<10000x128xf32, #tpu.memory_space<hbm>> -> memref<10000x128xf32, #tpu.memory_space<hbm>>
      tpu.enqueue_indirect_dma source(%dma_start3A_114 : memref<10000x128xf32, #tpu.memory_space<hbm>>) target(%arg9 : memref<104x128xf32, #tpu.memory_space<vmem>>) offsets(%dma_start3A_111 : memref<104xi32, #tpu.memory_space<vmem>>) semaphore(%arg12 : memref<!tpu.dma_semaphore, #tpu.memory_space<semaphore_mem>>)
      %add3A_115 = arith.constant 1 : i32
      %add3A_116 = arith.addi %mul3A_69, %add3A_115 : i32
      %dma_wait3A_117 = arith.constant 0 : i32
      %dma_wait3A_118 = tpu.memref_slice %arg8[%add3A_116, %dma_wait3A_117] : memref<97x104xi32, #tpu.memory_space<vmem>> -> memref<1x104xi32, #tpu.memory_space<vmem>>
      %dma_wait3A_119 = tpu.memref_squeeze %dma_wait3A_118 : memref<1x104xi32, #tpu.memory_space<vmem>> -> memref<104xi32, #tpu.memory_space<vmem>>
      %dma_wait3A_120 = arith.constant 0 : i32
      %dma_wait3A_121 = arith.constant 0 : i32
      %dma_wait3A_122 = tpu.memref_slice %arg11[%dma_wait3A_120, %dma_wait3A_121] : memref<10008x128xf32, #tpu.memory_space<vmem_shared>> -> memref<10008x128xf32, #tpu.memory_space<vmem_shared>>
      tpu.wait_indirect_dma semaphore(%arg15 : memref<!tpu.dma_semaphore, #tpu.memory_space<semaphore_mem>>) src(%arg10 : memref<104x128xf32, #tpu.memory_space<vmem>>) dst(%dma_wait3A_122 : memref<10008x128xf32, #tpu.memory_space<vmem_shared>>)
      %add3A_123 = arith.constant 3 : i32
      %add3A_124 = arith.addi %mul3A_69, %add3A_123 : i32
      %lt3A = arith.constant 97 : i32
      %lt3A_125 = arith.cmpi slt, %add3A_124, %lt3A : i32
      %convert_element_type3A_126 = arith.extui %lt3A_125 : i1 to i32
      %cond3A_127 = arith.constant 0 : i32
      %cond3A_128 = arith.cmpi ne, %convert_element_type3A_126, %cond3A_127 : i32
      scf.if %cond3A_128 {
        %add3A_129 = arith.constant 3 : i32
        %add3A_130 = arith.addi %mul3A_69, %add3A_129 : i32
        %mul3A_131 = arith.constant 104 : i32
        %mul3A_132 = arith.muli %add3A_130, %mul3A_131 : i32
        %multiple_of3A_133 = tpu.assume_multiple %mul3A_132, 8 : i32
        %dma_start3A_134 = tpu.memref_slice %arg7[%multiple_of3A_133] : memref<10088xi32, #tpu.memory_space<vmem>> -> memref<104xi32, #tpu.memory_space<vmem>>
        %dma_start3A_135 = arith.constant 0 : i32
        %dma_start3A_136 = arith.constant 0 : i32
        %dma_start3A_137 = tpu.memref_slice %arg2[%dma_start3A_135, %dma_start3A_136] : memref<10000x128xf32, #tpu.memory_space<hbm>> -> memref<10000x128xf32, #tpu.memory_space<hbm>>
        tpu.enqueue_indirect_dma source(%dma_start3A_137 : memref<10000x128xf32, #tpu.memory_space<hbm>>) target(%arg10 : memref<104x128xf32, #tpu.memory_space<vmem>>) offsets(%dma_start3A_134 : memref<104xi32, #tpu.memory_space<vmem>>) semaphore(%arg13 : memref<!tpu.dma_semaphore, #tpu.memory_space<semaphore_mem>>)
      } else {
      }
    }
    %scan3A_50 = arith.constant 48 : i32
    %multiple_of3A_51 = arith.constant 9984 : i32
    %multiple_of3A_52 = tpu.assume_multiple %multiple_of3A_51, 8 : i32
    %dma_wait3A_53 = tpu.memref_slice %arg7[%multiple_of3A_52] : memref<10088xi32, #tpu.memory_space<vmem>> -> memref<104xi32, #tpu.memory_space<vmem>>
    %dma_wait3A_54 = arith.constant 0 : i32
    %dma_wait3A_55 = arith.constant 0 : i32
    %dma_wait3A_56 = tpu.memref_slice %arg2[%dma_wait3A_54, %dma_wait3A_55] : memref<10000x128xf32, #tpu.memory_space<hbm>> -> memref<10000x128xf32, #tpu.memory_space<hbm>>
    tpu.wait_indirect_dma semaphore(%arg12 : memref<!tpu.dma_semaphore, #tpu.memory_space<semaphore_mem>>) src(%dma_wait3A_56 : memref<10000x128xf32, #tpu.memory_space<hbm>>) dst(%arg9 : memref<104x128xf32, #tpu.memory_space<vmem>>)
    %run_scoped3A = arith.constant 96 : i32
    "tpu.region"() ({
      %run_scoped3A_67 = tpu.sem_alloc : memref<!tpu.dma_semaphore, #tpu.memory_space<semaphore_mem>>
      %dma_start3A_68 = arith.constant 0 : i32
      %dma_start3A_69 = tpu.memref_slice %arg8[%run_scoped3A, %dma_start3A_68] : memref<97x104xi32, #tpu.memory_space<vmem>> -> memref<1x104xi32, #tpu.memory_space<vmem>>
      %dma_start3A_70 = tpu.memref_squeeze %dma_start3A_69 : memref<1x104xi32, #tpu.memory_space<vmem>> -> memref<104xi32, #tpu.memory_space<vmem>>
      %dma_start3A_71 = arith.constant 0 : i32
      %dma_start3A_72 = arith.constant 0 : i32
      %dma_start3A_73 = tpu.memref_slice %arg11[%dma_start3A_71, %dma_start3A_72] : memref<10008x128xf32, #tpu.memory_space<vmem_shared>> -> memref<10008x128xf32, #tpu.memory_space<vmem_shared>>
      tpu.enqueue_indirect_dma source(%arg9 : memref<104x128xf32, #tpu.memory_space<vmem>>) target(%dma_start3A_73 : memref<10008x128xf32, #tpu.memory_space<vmem_shared>>) offsets(%dma_start3A_70 : memref<104xi32, #tpu.memory_space<vmem>>) semaphore(%run_scoped3A_67 : memref<!tpu.dma_semaphore, #tpu.memory_space<semaphore_mem>>) {add = true}
      %dma_wait3A_74 = arith.constant 0 : i32
      %dma_wait3A_75 = tpu.memref_slice %arg8[%run_scoped3A, %dma_wait3A_74] : memref<97x104xi32, #tpu.memory_space<vmem>> -> memref<1x104xi32, #tpu.memory_space<vmem>>
      %dma_wait3A_76 = tpu.memref_squeeze %dma_wait3A_75 : memref<1x104xi32, #tpu.memory_space<vmem>> -> memref<104xi32, #tpu.memory_space<vmem>>
      %dma_wait3A_77 = arith.constant 0 : i32
      %dma_wait3A_78 = arith.constant 0 : i32
      %dma_wait3A_79 = tpu.memref_slice %arg11[%dma_wait3A_77, %dma_wait3A_78] : memref<10008x128xf32, #tpu.memory_space<vmem_shared>> -> memref<10008x128xf32, #tpu.memory_space<vmem_shared>>
      tpu.wait_indirect_dma semaphore(%run_scoped3A_67 : memref<!tpu.dma_semaphore, #tpu.memory_space<semaphore_mem>>) src(%arg9 : memref<104x128xf32, #tpu.memory_space<vmem>>) dst(%dma_wait3A_79 : memref<10008x128xf32, #tpu.memory_space<vmem_shared>>)
      tpu.yield
    }) : () -> ()
    %barrier3A_57 = arith.constant 0 : index
    tpu.barrier barrier_id(%barrier3A_57)
    %mul3A_58 = arith.constant 624 : i32
    %mul3A_59 = arith.muli %arg1, %mul3A_58 : i32
    %mul3A_60 = arith.constant 624 : i32
    %mul3A_61 = arith.muli %arg1, %mul3A_60 : i32
    "tpu.region"() ({
      %run_scoped3A_67 = tpu.sem_alloc : memref<!tpu.dma_semaphore, #tpu.memory_space<semaphore_mem>>
      %dma_start3A_68 = arith.constant 0 : i32
      %dma_start3A_69 = tpu.memref_slice %arg6[%arg0, %mul3A_61, %dma_start3A_68] : memref<2x10000x128xf32, #tpu.memory_space<hbm>> -> memref<1x624x128xf32, #tpu.memory_space<hbm>>
      %dma_start3A_70 = tpu.memref_squeeze %dma_start3A_69 : memref<1x624x128xf32, #tpu.memory_space<hbm>> -> memref<624x128xf32, #tpu.memory_space<hbm>>
      %dma_start3A_71 = arith.constant 0 : i32
      %dma_start3A_72 = tpu.memref_slice %arg11[%mul3A_59, %dma_start3A_71] : memref<10008x128xf32, #tpu.memory_space<vmem_shared>> -> memref<624x128xf32, #tpu.memory_space<vmem_shared>>
      tpu.enqueue_dma source(%dma_start3A_72 : memref<624x128xf32, #tpu.memory_space<vmem_shared>>) target(%dma_start3A_70 : memref<624x128xf32, #tpu.memory_space<hbm>>) target_semaphore(%run_scoped3A_67 : memref<!tpu.dma_semaphore, #tpu.memory_space<semaphore_mem>>)
      %dma_wait3A_73 = arith.constant 0 : i32
      %dma_wait3A_74 = tpu.memref_slice %arg6[%arg0, %mul3A_61, %dma_wait3A_73] : memref<2x10000x128xf32, #tpu.memory_space<hbm>> -> memref<1x624x128xf32, #tpu.memory_space<hbm>>
      %dma_wait3A_75 = tpu.memref_squeeze %dma_wait3A_74 : memref<1x624x128xf32, #tpu.memory_space<hbm>> -> memref<624x128xf32, #tpu.memory_space<hbm>>
      %dma_wait3A_76 = arith.constant 0 : i32
      %dma_wait3A_77 = tpu.memref_slice %arg11[%mul3A_59, %dma_wait3A_76] : memref<10008x128xf32, #tpu.memory_space<vmem_shared>> -> memref<624x128xf32, #tpu.memory_space<vmem_shared>>
      tpu.wait_dma2 semaphore(%run_scoped3A_67 : memref<!tpu.dma_semaphore, #tpu.memory_space<semaphore_mem>>) src(%dma_wait3A_77 : memref<624x128xf32, #tpu.memory_space<vmem_shared>>) dst(%dma_wait3A_75 : memref<624x128xf32, #tpu.memory_space<hbm>>)
      tpu.yield
    }) : () -> ()
    %eq3A_62 = arith.constant 15 : i32
    %eq3A_63 = arith.cmpi eq, %arg1, %eq3A_62 : i32
    %convert_element_type3A_64 = arith.extui %eq3A_63 : i1 to i32
    %cond3A_65 = arith.constant 0 : i32
    %cond3A_66 = arith.cmpi ne, %convert_element_type3A_64, %cond3A_65 : i32
    scf.if %cond3A_66 {
      "tpu.region"() ({
        %run_scoped3A_67 = tpu.sem_alloc : memref<!tpu.dma_semaphore, #tpu.memory_space<semaphore_mem>>
        %dma_start3A_68 = arith.constant 9984 : i32
        %dma_start3A_69 = arith.constant 0 : i32
        %dma_start3A_70 = tpu.memref_slice %arg6[%arg0, %dma_start3A_68, %dma_start3A_69] : memref<2x10000x128xf32, #tpu.memory_space<hbm>> -> memref<1x16x128xf32, #tpu.memory_space<hbm>>
        %dma_start3A_71 = tpu.memref_squeeze %dma_start3A_70 : memref<1x16x128xf32, #tpu.memory_space<hbm>> -> memref<16x128xf32, #tpu.memory_space<hbm>>
        %dma_start3A_72 = arith.constant 9984 : i32
        %dma_start3A_73 = arith.constant 0 : i32
        %dma_start3A_74 = tpu.memref_slice %arg11[%dma_start3A_72, %dma_start3A_73] : memref<10008x128xf32, #tpu.memory_space<vmem_shared>> -> memref<16x128xf32, #tpu.memory_space<vmem_shared>>
        tpu.enqueue_dma source(%dma_start3A_74 : memref<16x128xf32, #tpu.memory_space<vmem_shared>>) target(%dma_start3A_71 : memref<16x128xf32, #tpu.memory_space<hbm>>) target_semaphore(%run_scoped3A_67 : memref<!tpu.dma_semaphore, #tpu.memory_space<semaphore_mem>>)
        %dma_wait3A_75 = arith.constant 9984 : i32
        %dma_wait3A_76 = arith.constant 0 : i32
        %dma_wait3A_77 = tpu.memref_slice %arg6[%arg0, %dma_wait3A_75, %dma_wait3A_76] : memref<2x10000x128xf32, #tpu.memory_space<hbm>> -> memref<1x16x128xf32, #tpu.memory_space<hbm>>
        %dma_wait3A_78 = tpu.memref_squeeze %dma_wait3A_77 : memref<1x16x128xf32, #tpu.memory_space<hbm>> -> memref<16x128xf32, #tpu.memory_space<hbm>>
        %dma_wait3A_79 = arith.constant 9984 : i32
        %dma_wait3A_80 = arith.constant 0 : i32
        %dma_wait3A_81 = tpu.memref_slice %arg11[%dma_wait3A_79, %dma_wait3A_80] : memref<10008x128xf32, #tpu.memory_space<vmem_shared>> -> memref<16x128xf32, #tpu.memory_space<vmem_shared>>
        tpu.wait_dma2 semaphore(%run_scoped3A_67 : memref<!tpu.dma_semaphore, #tpu.memory_space<semaphore_mem>>) src(%dma_wait3A_81 : memref<16x128xf32, #tpu.memory_space<vmem_shared>>) dst(%dma_wait3A_78 : memref<16x128xf32, #tpu.memory_space<hbm>>)
        tpu.yield
      }) : () -> ()
    } else {
    }
    return
  }
}

#map = affine_map<(d0, d1) -> (0, 0)>
#map1 = affine_map<(d0, d1) -> (0, 0, 0)>
module attributes {stable_mosaic.version = 14 : i64} {
  func.func @_agg_body(%arg0: i32, %arg1: i32, %arg2: memref<10000x128xf32, #tpu.memory_space<hbm>>, %arg3: memref<10000x128xf32, #tpu.memory_space<hbm>>, %arg4: memref<32x1x10088xi32, #tpu.memory_space<hbm>>, %arg5: memref<32x97x104xi32, #tpu.memory_space<hbm>>, %arg6: memref<2x10000x128xf32, #tpu.memory_space<hbm>>, %arg7: memref<10088xi32, #tpu.memory_space<vmem>>, %arg8: memref<97x104xi32, #tpu.memory_space<vmem>>, %arg9: memref<104x128xf32, #tpu.memory_space<vmem>>, %arg10: memref<104x128xf32, #tpu.memory_space<vmem>>, %arg11: memref<10008x128xf32, #tpu.memory_space<vmem_shared>>, %arg12: memref<!tpu.dma_semaphore, #tpu.memory_space<semaphore_mem>>, %arg13: memref<!tpu.dma_semaphore, #tpu.memory_space<semaphore_mem>>, %arg14: memref<!tpu.dma_semaphore, #tpu.memory_space<semaphore_mem>>, %arg15: memref<!tpu.dma_semaphore, #tpu.memory_space<semaphore_mem>>) attributes {dimension_semantics = [#tpu.dimension_semantics<core_parallel>, #tpu.dimension_semantics<subcore_parallel>], iteration_bounds = array<i64: 2, 16>, scalar_prefetch = 0 : i64, scratch_operands = 9 : i64, tpu.core_type = #tpu.core_type<sc_vector_subcore>, window_params = [{transform_indices = #map}, {transform_indices = #map}, {transform_indices = #map1}, {transform_indices = #map1}, {transform_indices = #map1}]} {
    %mul3A = arith.constant 16 : i32
    %mul3A_0 = arith.muli %arg0, %mul3A : i32
    %add3A = arith.addi %mul3A_0, %arg1 : i32
    %dma_start3A = arith.constant 0 : i32
    %dma_start3A_1 = arith.constant 0 : i32
    %dma_start3A_2 = tpu.memref_slice %arg4[%add3A, %dma_start3A, %dma_start3A_1] : memref<32x1x10088xi32, #tpu.memory_space<hbm>> -> memref<1x1x10088xi32, #tpu.memory_space<hbm>>
    %dma_start3A_3 = tpu.memref_squeeze %dma_start3A_2 : memref<1x1x10088xi32, #tpu.memory_space<hbm>> -> memref<10088xi32, #tpu.memory_space<hbm>>
    %dma_start3A_4 = arith.constant 0 : i32
    %dma_start3A_5 = tpu.memref_slice %arg4[%add3A, %dma_start3A, %dma_start3A_4] : memref<32x1x10088xi32, #tpu.memory_space<hbm>> -> memref<1x1x10088xi32, #tpu.memory_space<hbm>>
    %dma_start3A_6 = tpu.memref_squeeze %dma_start3A_5 : memref<1x1x10088xi32, #tpu.memory_space<hbm>> -> memref<10088xi32, #tpu.memory_space<hbm>>
    tpu.enqueue_dma source(%dma_start3A_6 : memref<10088xi32, #tpu.memory_space<hbm>>) target(%arg7 : memref<10088xi32, #tpu.memory_space<vmem>>) target_semaphore(%arg12 : memref<!tpu.dma_semaphore, #tpu.memory_space<semaphore_mem>>)
    %dma_wait3A = arith.constant 0 : i32
    %dma_wait3A_7 = arith.constant 0 : i32
    %dma_wait3A_8 = tpu.memref_slice %arg4[%add3A, %dma_wait3A, %dma_wait3A_7] : memref<32x1x10088xi32, #tpu.memory_space<hbm>> -> memref<1x1x10088xi32, #tpu.memory_space<hbm>>
    %dma_wait3A_9 = tpu.memref_squeeze %dma_wait3A_8 : memref<1x1x10088xi32, #tpu.memory_space<hbm>> -> memref<10088xi32, #tpu.memory_space<hbm>>
    %dma_wait3A_10 = arith.constant 0 : i32
    %dma_wait3A_11 = tpu.memref_slice %arg4[%add3A, %dma_wait3A, %dma_wait3A_10] : memref<32x1x10088xi32, #tpu.memory_space<hbm>> -> memref<1x1x10088xi32, #tpu.memory_space<hbm>>
    %dma_wait3A_12 = tpu.memref_squeeze %dma_wait3A_11 : memref<1x1x10088xi32, #tpu.memory_space<hbm>> -> memref<10088xi32, #tpu.memory_space<hbm>>
    tpu.wait_dma2 semaphore(%arg12 : memref<!tpu.dma_semaphore, #tpu.memory_space<semaphore_mem>>) src(%dma_wait3A_12 : memref<10088xi32, #tpu.memory_space<hbm>>) dst(%arg7 : memref<10088xi32, #tpu.memory_space<vmem>>)
    %dma_start3A_13 = arith.constant 0 : i32
    %dma_start3A_14 = arith.constant 0 : i32
    %dma_start3A_15 = tpu.memref_slice %arg5[%add3A, %dma_start3A_13, %dma_start3A_14] : memref<32x97x104xi32, #tpu.memory_space<hbm>> -> memref<1x97x104xi32, #tpu.memory_space<hbm>>
    %dma_start3A_16 = tpu.memref_squeeze %dma_start3A_15 : memref<1x97x104xi32, #tpu.memory_space<hbm>> -> memref<97x104xi32, #tpu.memory_space<hbm>>
    %dma_start3A_17 = arith.constant 0 : i32
    %dma_start3A_18 = arith.constant 0 : i32
    %dma_start3A_19 = tpu.memref_slice %arg5[%add3A, %dma_start3A_17, %dma_start3A_18] : memref<32x97x104xi32, #tpu.memory_space<hbm>> -> memref<1x97x104xi32, #tpu.memory_space<hbm>>
    %dma_start3A_20 = tpu.memref_squeeze %dma_start3A_19 : memref<1x97x104xi32, #tpu.memory_space<hbm>> -> memref<97x104xi32, #tpu.memory_space<hbm>>
    tpu.enqueue_dma source(%dma_start3A_20 : memref<97x104xi32, #tpu.memory_space<hbm>>) target(%arg8 : memref<97x104xi32, #tpu.memory_space<vmem>>) target_semaphore(%arg12 : memref<!tpu.dma_semaphore, #tpu.memory_space<semaphore_mem>>)
    %dma_wait3A_21 = arith.constant 0 : i32
    %dma_wait3A_22 = arith.constant 0 : i32
    %dma_wait3A_23 = tpu.memref_slice %arg5[%add3A, %dma_wait3A_21, %dma_wait3A_22] : memref<32x97x104xi32, #tpu.memory_space<hbm>> -> memref<1x97x104xi32, #tpu.memory_space<hbm>>
    %dma_wait3A_24 = tpu.memref_squeeze %dma_wait3A_23 : memref<1x97x104xi32, #tpu.memory_space<hbm>> -> memref<97x104xi32, #tpu.memory_space<hbm>>
    %dma_wait3A_25 = arith.constant 0 : i32
    %dma_wait3A_26 = arith.constant 0 : i32
    %dma_wait3A_27 = tpu.memref_slice %arg5[%add3A, %dma_wait3A_25, %dma_wait3A_26] : memref<32x97x104xi32, #tpu.memory_space<hbm>> -> memref<1x97x104xi32, #tpu.memory_space<hbm>>
    %dma_wait3A_28 = tpu.memref_squeeze %dma_wait3A_27 : memref<1x97x104xi32, #tpu.memory_space<hbm>> -> memref<97x104xi32, #tpu.memory_space<hbm>>
    tpu.wait_dma2 semaphore(%arg12 : memref<!tpu.dma_semaphore, #tpu.memory_space<semaphore_mem>>) src(%dma_wait3A_28 : memref<97x104xi32, #tpu.memory_space<hbm>>) dst(%arg8 : memref<97x104xi32, #tpu.memory_space<vmem>>)
    %mul3A_29 = arith.constant 624 : i32
    %mul3A_30 = arith.muli %arg1, %mul3A_29 : i32
    %mul3A_31 = arith.constant 624 : i32
    %mul3A_32 = arith.muli %arg1, %mul3A_31 : i32
    "tpu.region"() ({
      %run_scoped3A_67 = tpu.sem_alloc : memref<!tpu.dma_semaphore, #tpu.memory_space<semaphore_mem>>
      %dma_start3A_68 = arith.constant 0 : i32
      %dma_start3A_69 = tpu.memref_slice %arg11[%mul3A_32, %dma_start3A_68] : memref<10008x128xf32, #tpu.memory_space<vmem_shared>> -> memref<624x128xf32, #tpu.memory_space<vmem_shared>>
      %dma_start3A_70 = arith.constant 0 : i32
      %dma_start3A_71 = tpu.memref_slice %arg3[%mul3A_30, %dma_start3A_70] : memref<10000x128xf32, #tpu.memory_space<hbm>> -> memref<624x128xf32, #tpu.memory_space<hbm>>
      tpu.enqueue_dma source(%dma_start3A_71 : memref<624x128xf32, #tpu.memory_space<hbm>>) target(%dma_start3A_69 : memref<624x128xf32, #tpu.memory_space<vmem_shared>>) target_semaphore(%run_scoped3A_67 : memref<!tpu.dma_semaphore, #tpu.memory_space<semaphore_mem>>)
      %dma_wait3A_72 = arith.constant 0 : i32
      %dma_wait3A_73 = tpu.memref_slice %arg11[%mul3A_32, %dma_wait3A_72] : memref<10008x128xf32, #tpu.memory_space<vmem_shared>> -> memref<624x128xf32, #tpu.memory_space<vmem_shared>>
      %dma_wait3A_74 = arith.constant 0 : i32
      %dma_wait3A_75 = tpu.memref_slice %arg3[%mul3A_30, %dma_wait3A_74] : memref<10000x128xf32, #tpu.memory_space<hbm>> -> memref<624x128xf32, #tpu.memory_space<hbm>>
      tpu.wait_dma2 semaphore(%run_scoped3A_67 : memref<!tpu.dma_semaphore, #tpu.memory_space<semaphore_mem>>) src(%dma_wait3A_75 : memref<624x128xf32, #tpu.memory_space<hbm>>) dst(%dma_wait3A_73 : memref<624x128xf32, #tpu.memory_space<vmem_shared>>)
      tpu.yield
    }) : () -> ()
    %eq3A = arith.constant 15 : i32
    %eq3A_33 = arith.cmpi eq, %arg1, %eq3A : i32
    %convert_element_type3A = arith.extui %eq3A_33 : i1 to i32
    %cond3A = arith.constant 0 : i32
    %cond3A_34 = arith.cmpi ne, %convert_element_type3A, %cond3A : i32
    scf.if %cond3A_34 {
      "tpu.region"() ({
        %run_scoped3A_67 = tpu.sem_alloc : memref<!tpu.dma_semaphore, #tpu.memory_space<semaphore_mem>>
        %dma_start3A_68 = arith.constant 9984 : i32
        %dma_start3A_69 = arith.constant 0 : i32
        %dma_start3A_70 = tpu.memref_slice %arg11[%dma_start3A_68, %dma_start3A_69] : memref<10008x128xf32, #tpu.memory_space<vmem_shared>> -> memref<16x128xf32, #tpu.memory_space<vmem_shared>>
        %dma_start3A_71 = arith.constant 9984 : i32
        %dma_start3A_72 = arith.constant 0 : i32
        %dma_start3A_73 = tpu.memref_slice %arg3[%dma_start3A_71, %dma_start3A_72] : memref<10000x128xf32, #tpu.memory_space<hbm>> -> memref<16x128xf32, #tpu.memory_space<hbm>>
        tpu.enqueue_dma source(%dma_start3A_73 : memref<16x128xf32, #tpu.memory_space<hbm>>) target(%dma_start3A_70 : memref<16x128xf32, #tpu.memory_space<vmem_shared>>) target_semaphore(%run_scoped3A_67 : memref<!tpu.dma_semaphore, #tpu.memory_space<semaphore_mem>>)
        %dma_wait3A_74 = arith.constant 9984 : i32
        %dma_wait3A_75 = arith.constant 0 : i32
        %dma_wait3A_76 = tpu.memref_slice %arg11[%dma_wait3A_74, %dma_wait3A_75] : memref<10008x128xf32, #tpu.memory_space<vmem_shared>> -> memref<16x128xf32, #tpu.memory_space<vmem_shared>>
        %dma_wait3A_77 = arith.constant 9984 : i32
        %dma_wait3A_78 = arith.constant 0 : i32
        %dma_wait3A_79 = tpu.memref_slice %arg3[%dma_wait3A_77, %dma_wait3A_78] : memref<10000x128xf32, #tpu.memory_space<hbm>> -> memref<16x128xf32, #tpu.memory_space<hbm>>
        tpu.wait_dma2 semaphore(%run_scoped3A_67 : memref<!tpu.dma_semaphore, #tpu.memory_space<semaphore_mem>>) src(%dma_wait3A_79 : memref<16x128xf32, #tpu.memory_space<hbm>>) dst(%dma_wait3A_76 : memref<16x128xf32, #tpu.memory_space<vmem_shared>>)
        tpu.yield
      }) : () -> ()
    } else {
    }
    %barrier3A = arith.constant 0 : index
    tpu.barrier barrier_id(%barrier3A)
    %multiple_of3A = arith.constant 0 : i32
    %multiple_of3A_35 = tpu.assume_multiple %multiple_of3A, 8 : i32
    %dma_start3A_36 = tpu.memref_slice %arg7[%multiple_of3A_35] : memref<10088xi32, #tpu.memory_space<vmem>> -> memref<104xi32, #tpu.memory_space<vmem>>
    %dma_start3A_37 = arith.constant 0 : i32
    %dma_start3A_38 = arith.constant 0 : i32
    %dma_start3A_39 = tpu.memref_slice %arg2[%dma_start3A_37, %dma_start3A_38] : memref<10000x128xf32, #tpu.memory_space<hbm>> -> memref<10000x128xf32, #tpu.memory_space<hbm>>
    tpu.enqueue_indirect_dma source(%dma_start3A_39 : memref<10000x128xf32, #tpu.memory_space<hbm>>) target(%arg9 : memref<104x128xf32, #tpu.memory_space<vmem>>) offsets(%dma_start3A_36 : memref<104xi32, #tpu.memory_space<vmem>>) semaphore(%arg12 : memref<!tpu.dma_semaphore, #tpu.memory_space<semaphore_mem>>)
    %multiple_of3A_40 = arith.constant 104 : i32
    %multiple_of3A_41 = tpu.assume_multiple %multiple_of3A_40, 8 : i32
    %dma_start3A_42 = tpu.memref_slice %arg7[%multiple_of3A_41] : memref<10088xi32, #tpu.memory_space<vmem>> -> memref<104xi32, #tpu.memory_space<vmem>>
    %dma_start3A_43 = arith.constant 0 : i32
    %dma_start3A_44 = arith.constant 0 : i32
    %dma_start3A_45 = tpu.memref_slice %arg2[%dma_start3A_43, %dma_start3A_44] : memref<10000x128xf32, #tpu.memory_space<hbm>> -> memref<10000x128xf32, #tpu.memory_space<hbm>>
    tpu.enqueue_indirect_dma source(%dma_start3A_45 : memref<10000x128xf32, #tpu.memory_space<hbm>>) target(%arg10 : memref<104x128xf32, #tpu.memory_space<vmem>>) offsets(%dma_start3A_42 : memref<104xi32, #tpu.memory_space<vmem>>) semaphore(%arg13 : memref<!tpu.dma_semaphore, #tpu.memory_space<semaphore_mem>>)
    %scan3A = arith.constant 0 : i32
    %scan3A_46 = arith.constant 0 : i32
    %scan3A_47 = arith.constant 48 : i32
    %scan3A_48 = arith.addi %scan3A_46, %scan3A_47 : i32
    %scan3A_49 = arith.constant 1 : i32
    scf.for %scan3A_67 = %scan3A_46 to %scan3A_48 step %scan3A_49  : i32 {
      %mul3A_68 = arith.constant 2 : i32
      %mul3A_69 = arith.muli %mul3A_68, %scan3A_67 : i32
      %mul3A_70 = arith.constant 104 : i32
      %mul3A_71 = arith.muli %mul3A_69, %mul3A_70 : i32
      %multiple_of3A_72 = tpu.assume_multiple %mul3A_71, 8 : i32
      %dma_wait3A_73 = tpu.memref_slice %arg7[%multiple_of3A_72] : memref<10088xi32, #tpu.memory_space<vmem>> -> memref<104xi32, #tpu.memory_space<vmem>>
      %dma_wait3A_74 = arith.constant 0 : i32
      %dma_wait3A_75 = arith.constant 0 : i32
      %dma_wait3A_76 = tpu.memref_slice %arg2[%dma_wait3A_74, %dma_wait3A_75] : memref<10000x128xf32, #tpu.memory_space<hbm>> -> memref<10000x128xf32, #tpu.memory_space<hbm>>
      tpu.wait_indirect_dma semaphore(%arg12 : memref<!tpu.dma_semaphore, #tpu.memory_space<semaphore_mem>>) src(%dma_wait3A_76 : memref<10000x128xf32, #tpu.memory_space<hbm>>) dst(%arg9 : memref<104x128xf32, #tpu.memory_space<vmem>>)
      %dma_start3A_77 = arith.constant 0 : i32
      %dma_start3A_78 = tpu.memref_slice %arg8[%mul3A_69, %dma_start3A_77] : memref<97x104xi32, #tpu.memory_space<vmem>> -> memref<1x104xi32, #tpu.memory_space<vmem>>
      %dma_start3A_79 = tpu.memref_squeeze %dma_start3A_78 : memref<1x104xi32, #tpu.memory_space<vmem>> -> memref<104xi32, #tpu.memory_space<vmem>>
      %dma_start3A_80 = arith.constant 0 : i32
      %dma_start3A_81 = arith.constant 0 : i32
      %dma_start3A_82 = tpu.memref_slice %arg11[%dma_start3A_80, %dma_start3A_81] : memref<10008x128xf32, #tpu.memory_space<vmem_shared>> -> memref<10008x128xf32, #tpu.memory_space<vmem_shared>>
      tpu.enqueue_indirect_dma source(%arg9 : memref<104x128xf32, #tpu.memory_space<vmem>>) target(%dma_start3A_82 : memref<10008x128xf32, #tpu.memory_space<vmem_shared>>) offsets(%dma_start3A_79 : memref<104xi32, #tpu.memory_space<vmem>>) semaphore(%arg14 : memref<!tpu.dma_semaphore, #tpu.memory_space<semaphore_mem>>) {add = true}
      %add3A_83 = arith.constant 1 : i32
      %add3A_84 = arith.addi %mul3A_69, %add3A_83 : i32
      %mul3A_85 = arith.constant 104 : i32
      %mul3A_86 = arith.muli %add3A_84, %mul3A_85 : i32
      %multiple_of3A_87 = tpu.assume_multiple %mul3A_86, 8 : i32
      %dma_wait3A_88 = tpu.memref_slice %arg7[%multiple_of3A_87] : memref<10088xi32, #tpu.memory_space<vmem>> -> memref<104xi32, #tpu.memory_space<vmem>>
      %dma_wait3A_89 = arith.constant 0 : i32
      %dma_wait3A_90 = arith.constant 0 : i32
      %dma_wait3A_91 = tpu.memref_slice %arg2[%dma_wait3A_89, %dma_wait3A_90] : memref<10000x128xf32, #tpu.memory_space<hbm>> -> memref<10000x128xf32, #tpu.memory_space<hbm>>
      tpu.wait_indirect_dma semaphore(%arg13 : memref<!tpu.dma_semaphore, #tpu.memory_space<semaphore_mem>>) src(%dma_wait3A_91 : memref<10000x128xf32, #tpu.memory_space<hbm>>) dst(%arg10 : memref<104x128xf32, #tpu.memory_space<vmem>>)
      %add3A_92 = arith.constant 1 : i32
      %add3A_93 = arith.addi %mul3A_69, %add3A_92 : i32
      %dma_start3A_94 = arith.constant 0 : i32
      %dma_start3A_95 = tpu.memref_slice %arg8[%add3A_93, %dma_start3A_94] : memref<97x104xi32, #tpu.memory_space<vmem>> -> memref<1x104xi32, #tpu.memory_space<vmem>>
      %dma_start3A_96 = tpu.memref_squeeze %dma_start3A_95 : memref<1x104xi32, #tpu.memory_space<vmem>> -> memref<104xi32, #tpu.memory_space<vmem>>
      %dma_start3A_97 = arith.constant 0 : i32
      %dma_start3A_98 = arith.constant 0 : i32
      %dma_start3A_99 = tpu.memref_slice %arg11[%dma_start3A_97, %dma_start3A_98] : memref<10008x128xf32, #tpu.memory_space<vmem_shared>> -> memref<10008x128xf32, #tpu.memory_space<vmem_shared>>
      tpu.enqueue_indirect_dma source(%arg10 : memref<104x128xf32, #tpu.memory_space<vmem>>) target(%dma_start3A_99 : memref<10008x128xf32, #tpu.memory_space<vmem_shared>>) offsets(%dma_start3A_96 : memref<104xi32, #tpu.memory_space<vmem>>) semaphore(%arg15 : memref<!tpu.dma_semaphore, #tpu.memory_space<semaphore_mem>>) {add = true}
      %dma_wait3A_100 = arith.constant 0 : i32
      %dma_wait3A_101 = tpu.memref_slice %arg8[%mul3A_69, %dma_wait3A_100] : memref<97x104xi32, #tpu.memory_space<vmem>> -> memref<1x104xi32, #tpu.memory_space<vmem>>
      %dma_wait3A_102 = tpu.memref_squeeze %dma_wait3A_101 : memref<1x104xi32, #tpu.memory_space<vmem>> -> memref<104xi32, #tpu.memory_space<vmem>>
      %dma_wait3A_103 = arith.constant 0 : i32
      %dma_wait3A_104 = arith.constant 0 : i32
      %dma_wait3A_105 = tpu.memref_slice %arg11[%dma_wait3A_103, %dma_wait3A_104] : memref<10008x128xf32, #tpu.memory_space<vmem_shared>> -> memref<10008x128xf32, #tpu.memory_space<vmem_shared>>
      tpu.wait_indirect_dma semaphore(%arg14 : memref<!tpu.dma_semaphore, #tpu.memory_space<semaphore_mem>>) src(%arg9 : memref<104x128xf32, #tpu.memory_space<vmem>>) dst(%dma_wait3A_105 : memref<10008x128xf32, #tpu.memory_space<vmem_shared>>)
      %add3A_106 = arith.constant 2 : i32
      %add3A_107 = arith.addi %mul3A_69, %add3A_106 : i32
      %mul3A_108 = arith.constant 104 : i32
      %mul3A_109 = arith.muli %add3A_107, %mul3A_108 : i32
      %multiple_of3A_110 = tpu.assume_multiple %mul3A_109, 8 : i32
      %dma_start3A_111 = tpu.memref_slice %arg7[%multiple_of3A_110] : memref<10088xi32, #tpu.memory_space<vmem>> -> memref<104xi32, #tpu.memory_space<vmem>>
      %dma_start3A_112 = arith.constant 0 : i32
      %dma_start3A_113 = arith.constant 0 : i32
      %dma_start3A_114 = tpu.memref_slice %arg2[%dma_start3A_112, %dma_start3A_113] : memref<10000x128xf32, #tpu.memory_space<hbm>> -> memref<10000x128xf32, #tpu.memory_space<hbm>>
      tpu.enqueue_indirect_dma source(%dma_start3A_114 : memref<10000x128xf32, #tpu.memory_space<hbm>>) target(%arg9 : memref<104x128xf32, #tpu.memory_space<vmem>>) offsets(%dma_start3A_111 : memref<104xi32, #tpu.memory_space<vmem>>) semaphore(%arg12 : memref<!tpu.dma_semaphore, #tpu.memory_space<semaphore_mem>>)
      %add3A_115 = arith.constant 1 : i32
      %add3A_116 = arith.addi %mul3A_69, %add3A_115 : i32
      %dma_wait3A_117 = arith.constant 0 : i32
      %dma_wait3A_118 = tpu.memref_slice %arg8[%add3A_116, %dma_wait3A_117] : memref<97x104xi32, #tpu.memory_space<vmem>> -> memref<1x104xi32, #tpu.memory_space<vmem>>
      %dma_wait3A_119 = tpu.memref_squeeze %dma_wait3A_118 : memref<1x104xi32, #tpu.memory_space<vmem>> -> memref<104xi32, #tpu.memory_space<vmem>>
      %dma_wait3A_120 = arith.constant 0 : i32
      %dma_wait3A_121 = arith.constant 0 : i32
      %dma_wait3A_122 = tpu.memref_slice %arg11[%dma_wait3A_120, %dma_wait3A_121] : memref<10008x128xf32, #tpu.memory_space<vmem_shared>> -> memref<10008x128xf32, #tpu.memory_space<vmem_shared>>
      tpu.wait_indirect_dma semaphore(%arg15 : memref<!tpu.dma_semaphore, #tpu.memory_space<semaphore_mem>>) src(%arg10 : memref<104x128xf32, #tpu.memory_space<vmem>>) dst(%dma_wait3A_122 : memref<10008x128xf32, #tpu.memory_space<vmem_shared>>)
      %add3A_123 = arith.constant 3 : i32
      %add3A_124 = arith.addi %mul3A_69, %add3A_123 : i32
      %lt3A = arith.constant 97 : i32
      %lt3A_125 = arith.cmpi slt, %add3A_124, %lt3A : i32
      %convert_element_type3A_126 = arith.extui %lt3A_125 : i1 to i32
      %cond3A_127 = arith.constant 0 : i32
      %cond3A_128 = arith.cmpi ne, %convert_element_type3A_126, %cond3A_127 : i32
      scf.if %cond3A_128 {
        %add3A_129 = arith.constant 3 : i32
        %add3A_130 = arith.addi %mul3A_69, %add3A_129 : i32
        %mul3A_131 = arith.constant 104 : i32
        %mul3A_132 = arith.muli %add3A_130, %mul3A_131 : i32
        %multiple_of3A_133 = tpu.assume_multiple %mul3A_132, 8 : i32
        %dma_start3A_134 = tpu.memref_slice %arg7[%multiple_of3A_133] : memref<10088xi32, #tpu.memory_space<vmem>> -> memref<104xi32, #tpu.memory_space<vmem>>
        %dma_start3A_135 = arith.constant 0 : i32
        %dma_start3A_136 = arith.constant 0 : i32
        %dma_start3A_137 = tpu.memref_slice %arg2[%dma_start3A_135, %dma_start3A_136] : memref<10000x128xf32, #tpu.memory_space<hbm>> -> memref<10000x128xf32, #tpu.memory_space<hbm>>
        tpu.enqueue_indirect_dma source(%dma_start3A_137 : memref<10000x128xf32, #tpu.memory_space<hbm>>) target(%arg10 : memref<104x128xf32, #tpu.memory_space<vmem>>) offsets(%dma_start3A_134 : memref<104xi32, #tpu.memory_space<vmem>>) semaphore(%arg13 : memref<!tpu.dma_semaphore, #tpu.memory_space<semaphore_mem>>)
      } else {
      }
    }
    %scan3A_50 = arith.constant 48 : i32
    %multiple_of3A_51 = arith.constant 9984 : i32
    %multiple_of3A_52 = tpu.assume_multiple %multiple_of3A_51, 8 : i32
    %dma_wait3A_53 = tpu.memref_slice %arg7[%multiple_of3A_52] : memref<10088xi32, #tpu.memory_space<vmem>> -> memref<104xi32, #tpu.memory_space<vmem>>
    %dma_wait3A_54 = arith.constant 0 : i32
    %dma_wait3A_55 = arith.constant 0 : i32
    %dma_wait3A_56 = tpu.memref_slice %arg2[%dma_wait3A_54, %dma_wait3A_55] : memref<10000x128xf32, #tpu.memory_space<hbm>> -> memref<10000x128xf32, #tpu.memory_space<hbm>>
    tpu.wait_indirect_dma semaphore(%arg12 : memref<!tpu.dma_semaphore, #tpu.memory_space<semaphore_mem>>) src(%dma_wait3A_56 : memref<10000x128xf32, #tpu.memory_space<hbm>>) dst(%arg9 : memref<104x128xf32, #tpu.memory_space<vmem>>)
    %run_scoped3A = arith.constant 96 : i32
    "tpu.region"() ({
      %run_scoped3A_67 = tpu.sem_alloc : memref<!tpu.dma_semaphore, #tpu.memory_space<semaphore_mem>>
      %dma_start3A_68 = arith.constant 0 : i32
      %dma_start3A_69 = tpu.memref_slice %arg8[%run_scoped3A, %dma_start3A_68] : memref<97x104xi32, #tpu.memory_space<vmem>> -> memref<1x104xi32, #tpu.memory_space<vmem>>
      %dma_start3A_70 = tpu.memref_squeeze %dma_start3A_69 : memref<1x104xi32, #tpu.memory_space<vmem>> -> memref<104xi32, #tpu.memory_space<vmem>>
      %dma_start3A_71 = arith.constant 0 : i32
      %dma_start3A_72 = arith.constant 0 : i32
      %dma_start3A_73 = tpu.memref_slice %arg11[%dma_start3A_71, %dma_start3A_72] : memref<10008x128xf32, #tpu.memory_space<vmem_shared>> -> memref<10008x128xf32, #tpu.memory_space<vmem_shared>>
      tpu.enqueue_indirect_dma source(%arg9 : memref<104x128xf32, #tpu.memory_space<vmem>>) target(%dma_start3A_73 : memref<10008x128xf32, #tpu.memory_space<vmem_shared>>) offsets(%dma_start3A_70 : memref<104xi32, #tpu.memory_space<vmem>>) semaphore(%run_scoped3A_67 : memref<!tpu.dma_semaphore, #tpu.memory_space<semaphore_mem>>) {add = true}
      %dma_wait3A_74 = arith.constant 0 : i32
      %dma_wait3A_75 = tpu.memref_slice %arg8[%run_scoped3A, %dma_wait3A_74] : memref<97x104xi32, #tpu.memory_space<vmem>> -> memref<1x104xi32, #tpu.memory_space<vmem>>
      %dma_wait3A_76 = tpu.memref_squeeze %dma_wait3A_75 : memref<1x104xi32, #tpu.memory_space<vmem>> -> memref<104xi32, #tpu.memory_space<vmem>>
      %dma_wait3A_77 = arith.constant 0 : i32
      %dma_wait3A_78 = arith.constant 0 : i32
      %dma_wait3A_79 = tpu.memref_slice %arg11[%dma_wait3A_77, %dma_wait3A_78] : memref<10008x128xf32, #tpu.memory_space<vmem_shared>> -> memref<10008x128xf32, #tpu.memory_space<vmem_shared>>
      tpu.wait_indirect_dma semaphore(%run_scoped3A_67 : memref<!tpu.dma_semaphore, #tpu.memory_space<semaphore_mem>>) src(%arg9 : memref<104x128xf32, #tpu.memory_space<vmem>>) dst(%dma_wait3A_79 : memref<10008x128xf32, #tpu.memory_space<vmem_shared>>)
      tpu.yield
    }) : () -> ()
    %barrier3A_57 = arith.constant 0 : index
    tpu.barrier barrier_id(%barrier3A_57)
    %mul3A_58 = arith.constant 624 : i32
    %mul3A_59 = arith.muli %arg1, %mul3A_58 : i32
    %mul3A_60 = arith.constant 624 : i32
    %mul3A_61 = arith.muli %arg1, %mul3A_60 : i32
    "tpu.region"() ({
      %run_scoped3A_67 = tpu.sem_alloc : memref<!tpu.dma_semaphore, #tpu.memory_space<semaphore_mem>>
      %dma_start3A_68 = arith.constant 0 : i32
      %dma_start3A_69 = tpu.memref_slice %arg6[%arg0, %mul3A_61, %dma_start3A_68] : memref<2x10000x128xf32, #tpu.memory_space<hbm>> -> memref<1x624x128xf32, #tpu.memory_space<hbm>>
      %dma_start3A_70 = tpu.memref_squeeze %dma_start3A_69 : memref<1x624x128xf32, #tpu.memory_space<hbm>> -> memref<624x128xf32, #tpu.memory_space<hbm>>
      %dma_start3A_71 = arith.constant 0 : i32
      %dma_start3A_72 = tpu.memref_slice %arg11[%mul3A_59, %dma_start3A_71] : memref<10008x128xf32, #tpu.memory_space<vmem_shared>> -> memref<624x128xf32, #tpu.memory_space<vmem_shared>>
      tpu.enqueue_dma source(%dma_start3A_72 : memref<624x128xf32, #tpu.memory_space<vmem_shared>>) target(%dma_start3A_70 : memref<624x128xf32, #tpu.memory_space<hbm>>) target_semaphore(%run_scoped3A_67 : memref<!tpu.dma_semaphore, #tpu.memory_space<semaphore_mem>>)
      %dma_wait3A_73 = arith.constant 0 : i32
      %dma_wait3A_74 = tpu.memref_slice %arg6[%arg0, %mul3A_61, %dma_wait3A_73] : memref<2x10000x128xf32, #tpu.memory_space<hbm>> -> memref<1x624x128xf32, #tpu.memory_space<hbm>>
      %dma_wait3A_75 = tpu.memref_squeeze %dma_wait3A_74 : memref<1x624x128xf32, #tpu.memory_space<hbm>> -> memref<624x128xf32, #tpu.memory_space<hbm>>
      %dma_wait3A_76 = arith.constant 0 : i32
      %dma_wait3A_77 = tpu.memref_slice %arg11[%mul3A_59, %dma_wait3A_76] : memref<10008x128xf32, #tpu.memory_space<vmem_shared>> -> memref<624x128xf32, #tpu.memory_space<vmem_shared>>
      tpu.wait_dma2 semaphore(%run_scoped3A_67 : memref<!tpu.dma_semaphore, #tpu.memory_space<semaphore_mem>>) src(%dma_wait3A_77 : memref<624x128xf32, #tpu.memory_space<vmem_shared>>) dst(%dma_wait3A_75 : memref<624x128xf32, #tpu.memory_space<hbm>>)
      tpu.yield
    }) : () -> ()
    %eq3A_62 = arith.constant 15 : i32
    %eq3A_63 = arith.cmpi eq, %arg1, %eq3A_62 : i32
    %convert_element_type3A_64 = arith.extui %eq3A_63 : i1 to i32
    %cond3A_65 = arith.constant 0 : i32
    %cond3A_66 = arith.cmpi ne, %convert_element_type3A_64, %cond3A_65 : i32
    scf.if %cond3A_66 {
      "tpu.region"() ({
        %run_scoped3A_67 = tpu.sem_alloc : memref<!tpu.dma_semaphore, #tpu.memory_space<semaphore_mem>>
        %dma_start3A_68 = arith.constant 9984 : i32
        %dma_start3A_69 = arith.constant 0 : i32
        %dma_start3A_70 = tpu.memref_slice %arg6[%arg0, %dma_start3A_68, %dma_start3A_69] : memref<2x10000x128xf32, #tpu.memory_space<hbm>> -> memref<1x16x128xf32, #tpu.memory_space<hbm>>
        %dma_start3A_71 = tpu.memref_squeeze %dma_start3A_70 : memref<1x16x128xf32, #tpu.memory_space<hbm>> -> memref<16x128xf32, #tpu.memory_space<hbm>>
        %dma_start3A_72 = arith.constant 9984 : i32
        %dma_start3A_73 = arith.constant 0 : i32
        %dma_start3A_74 = tpu.memref_slice %arg11[%dma_start3A_72, %dma_start3A_73] : memref<10008x128xf32, #tpu.memory_space<vmem_shared>> -> memref<16x128xf32, #tpu.memory_space<vmem_shared>>
        tpu.enqueue_dma source(%dma_start3A_74 : memref<16x128xf32, #tpu.memory_space<vmem_shared>>) target(%dma_start3A_71 : memref<16x128xf32, #tpu.memory_space<hbm>>) target_semaphore(%run_scoped3A_67 : memref<!tpu.dma_semaphore, #tpu.memory_space<semaphore_mem>>)
        %dma_wait3A_75 = arith.constant 9984 : i32
        %dma_wait3A_76 = arith.constant 0 : i32
        %dma_wait3A_77 = tpu.memref_slice %arg6[%arg0, %dma_wait3A_75, %dma_wait3A_76] : memref<2x10000x128xf32, #tpu.memory_space<hbm>> -> memref<1x16x128xf32, #tpu.memory_space<hbm>>
        %dma_wait3A_78 = tpu.memref_squeeze %dma_wait3A_77 : memref<1x16x128xf32, #tpu.memory_space<hbm>> -> memref<16x128xf32, #tpu.memory_space<hbm>>
        %dma_wait3A_79 = arith.constant 9984 : i32
        %dma_wait3A_80 = arith.constant 0 : i32
        %dma_wait3A_81 = tpu.memref_slice %arg11[%dma_wait3A_79, %dma_wait3A_80] : memref<10008x128xf32, #tpu.memory_space<vmem_shared>> -> memref<16x128xf32, #tpu.memory_space<vmem_shared>>
        tpu.wait_dma2 semaphore(%run_scoped3A_67 : memref<!tpu.dma_semaphore, #tpu.memory_space<semaphore_mem>>) src(%dma_wait3A_81 : memref<16x128xf32, #tpu.memory_space<vmem_shared>>) dst(%dma_wait3A_78 : memref<16x128xf32, #tpu.memory_space<hbm>>)
        tpu.yield
      }) : () -> ()
    } else {
    }
    return
  }
}

module attributes {stable_mosaic.version = 14 : i64} {
  func.func @_dinv_body(%arg0: memref<32x1x10000xf32, #tpu.memory_space<vmem>>, %arg1: memref<1x10000xf32, #tpu.memory_space<vmem>>) attributes {dimension_semantics = [], scalar_prefetch = 0 : i64, scratch_operands = 0 : i64, tpu.core_type = #tpu.core_type<tc>} {
    %get3A = arith.constant 0 : index
    %get3A_0 = arith.constant 0 : index
    %get3A_1 = arith.constant 0 : index
    %get3A_2 = vector.load %arg0[%get3A, %get3A_0, %get3A_1] : memref<32x1x10000xf32, #tpu.memory_space<vmem>>, vector<32x1x10000xf32>
    %reduce_sum3A = arith.constant dense<0.000000e+00> : vector<10000xf32>
    %reduce_sum3A_3 = vector.multi_reduction <add>, %get3A_2, %reduce_sum3A [0, 1] : vector<32x1x10000xf32> to vector<10000xf32>
    %add3A = arith.constant 1.000000e+00 : f32
    %add3A_4 = vector.broadcast %add3A : f32 to vector<10000xf32>
    %add3A_5 = arith.addf %reduce_sum3A_3, %add3A_4 : vector<10000xf32>
    %rsqrt3A = math.rsqrt %add3A_5 : vector<10000xf32>
    %broadcast_in_dim3A = vector.shape_cast %rsqrt3A : vector<10000xf32> to vector<1x10000xf32>
    %swap3A = arith.constant 0 : index
    %swap3A_6 = arith.constant 0 : index
    %swap3A_7 = vector.load %arg1[%swap3A, %swap3A_6] : memref<1x10000xf32, #tpu.memory_space<vmem>>, vector<1x10000xf32>
    tpu.vector_store %arg1[%swap3A, %swap3A_6], %broadcast_in_dim3A {strides = array<i32>} : memref<1x10000xf32, #tpu.memory_space<vmem>>, vector<1x10000xf32>,
    return
  }
}

module attributes {stable_mosaic.version = 14 : i64} {
  func.func @_mm0_body(%arg0: memref<10000x128xf32, #tpu.memory_space<vmem>>, %arg1: memref<10000x1xf32, #tpu.memory_space<vmem>>, %arg2: memref<128x128xf32, #tpu.memory_space<vmem>>, %arg3: memref<10000x128xf32, #tpu.memory_space<vmem>>, %arg4: memref<10000x128xf32, #tpu.memory_space<vmem>>) attributes {dimension_semantics = [], scalar_prefetch = 0 : i64, scratch_operands = 0 : i64, tpu.core_type = #tpu.core_type<tc>} {
    %get3A = arith.constant 0 : index
    %get3A_0 = arith.constant 0 : index
    %get3A_1 = vector.load %arg1[%get3A, %get3A_0] : memref<10000x1xf32, #tpu.memory_space<vmem>>, vector<10000x1xf32>
    %get3A_2 = arith.constant 0 : index
    %get3A_3 = arith.constant 0 : index
    %get3A_4 = vector.load %arg0[%get3A_2, %get3A_3] : memref<10000x128xf32, #tpu.memory_space<vmem>>, vector<10000x128xf32>
    %get3A_5 = arith.constant 0 : index
    %get3A_6 = arith.constant 0 : index
    %get3A_7 = vector.load %arg2[%get3A_5, %get3A_6] : memref<128x128xf32, #tpu.memory_space<vmem>>, vector<128x128xf32>
    %dot_general3A = arith.constant dense<0.000000e+00> : vector<10000x128xf32>
    %dot_general3A_8 = tpu.matmul %get3A_4, %get3A_7, %dot_general3A {dimension_numbers = #tpu.dot_dimension_numbers<[1], [0], [0], [1], [0, 0, 1, 1], [], []>, transpose_lhs_hint = false} : vector<10000x128xf32>, vector<128x128xf32>, vector<10000x128xf32> -> vector<10000x128xf32>
    %mul3A = vector.broadcast %get3A_1 : vector<10000x1xf32> to vector<10000x128xf32>
    %mul3A_9 = arith.mulf %mul3A, %dot_general3A_8 : vector<10000x128xf32>
    %swap3A = arith.constant 0 : index
    %swap3A_10 = arith.constant 0 : index
    %swap3A_11 = vector.load %arg3[%swap3A, %swap3A_10] : memref<10000x128xf32, #tpu.memory_space<vmem>>, vector<10000x128xf32>
    tpu.vector_store %arg3[%swap3A, %swap3A_10], %mul3A_9 {strides = array<i32>} : memref<10000x128xf32, #tpu.memory_space<vmem>>, vector<10000x128xf32>,
    %mul3A_12 = arith.constant 5.000000e-01 : f32
    %mul3A_13 = vector.broadcast %mul3A_12 : f32 to vector<10000x128xf32>
    %mul3A_14 = arith.mulf %mul3A_13, %mul3A_9 : vector<10000x128xf32>
    %swap3A_15 = arith.constant 0 : index
    %swap3A_16 = arith.constant 0 : index
    %swap3A_17 = vector.load %arg4[%swap3A_15, %swap3A_16] : memref<10000x128xf32, #tpu.memory_space<vmem>>, vector<10000x128xf32>
    tpu.vector_store %arg4[%swap3A_15, %swap3A_16], %mul3A_14 {strides = array<i32>} : memref<10000x128xf32, #tpu.memory_space<vmem>>, vector<10000x128xf32>,
    return
  }
}

module attributes {stable_mosaic.version = 14 : i64} {
  func.func @_postmm_body(%arg0: memref<2x10000x128xf32, #tpu.memory_space<vmem>>, %arg1: memref<10000x1xf32, #tpu.memory_space<vmem>>, %arg2: memref<128xf32, #tpu.memory_space<vmem>>, %arg3: memref<128x128xf32, #tpu.memory_space<vmem>>, %arg4: memref<10000x128xf32, #tpu.memory_space<vmem>>, %arg5: memref<10000x128xf32, #tpu.memory_space<vmem>>) attributes {dimension_semantics = [], scalar_prefetch = 0 : i64, scratch_operands = 0 : i64, tpu.core_type = #tpu.core_type<tc>} {
    %get3A = arith.constant 0 : index
    %get3A_0 = arith.constant 0 : index
    %get3A_1 = vector.load %arg1[%get3A, %get3A_0] : memref<10000x1xf32, #tpu.memory_space<vmem>>, vector<10000x1xf32>
    %get3A_2 = arith.constant 0 : index
    %get3A_3 = arith.constant 0 : index
    %get3A_4 = arith.constant 0 : index
    %get3A_5 = vector.load %arg0[%get3A_2, %get3A_3, %get3A_4] : memref<2x10000x128xf32, #tpu.memory_space<vmem>>, vector<1x10000x128xf32>
    %get3A_6 = vector.shape_cast %get3A_5 : vector<1x10000x128xf32> to vector<10000x128xf32>
    %get3A_7 = arith.constant 1 : index
    %get3A_8 = arith.constant 0 : index
    %get3A_9 = arith.constant 0 : index
    %get3A_10 = vector.load %arg0[%get3A_7, %get3A_8, %get3A_9] : memref<2x10000x128xf32, #tpu.memory_space<vmem>>, vector<1x10000x128xf32>
    %get3A_11 = vector.shape_cast %get3A_10 : vector<1x10000x128xf32> to vector<10000x128xf32>
    %add3A = arith.addf %get3A_6, %get3A_11 : vector<10000x128xf32>
    %mul3A = vector.broadcast %get3A_1 : vector<10000x1xf32> to vector<10000x128xf32>
    %mul3A_12 = arith.mulf %mul3A, %add3A : vector<10000x128xf32>
    %get3A_13 = arith.constant 0 : index
    %get3A_14 = vector.load %arg2[%get3A_13] : memref<128xf32, #tpu.memory_space<vmem>>, vector<128xf32>
    %broadcast_in_dim3A = vector.shape_cast %get3A_14 : vector<128xf32> to vector<1x128xf32>
    %add3A_15 = vector.broadcast %broadcast_in_dim3A : vector<1x128xf32> to vector<10000x128xf32>
    %add3A_16 = arith.addf %mul3A_12, %add3A_15 : vector<10000x128xf32>
    %max3A = arith.constant 0.000000e+00 : f32
    %max3A_17 = vector.broadcast %max3A : f32 to vector<10000x128xf32>
    %max3A_18 = arith.maximumf %add3A_16, %max3A_17 : vector<10000x128xf32>
    %get3A_19 = arith.constant 0 : index
    %get3A_20 = arith.constant 0 : index
    %get3A_21 = vector.load %arg3[%get3A_19, %get3A_20] : memref<128x128xf32, #tpu.memory_space<vmem>>, vector<128x128xf32>
    %dot_general3A = arith.constant dense<0.000000e+00> : vector<10000x128xf32>
    %dot_general3A_22 = tpu.matmul %max3A_18, %get3A_21, %dot_general3A {dimension_numbers = #tpu.dot_dimension_numbers<[1], [0], [0], [1], [0, 0, 1, 1], [], []>, transpose_lhs_hint = false} : vector<10000x128xf32>, vector<128x128xf32>, vector<10000x128xf32> -> vector<10000x128xf32>
    %mul3A_23 = vector.broadcast %get3A_1 : vector<10000x1xf32> to vector<10000x128xf32>
    %mul3A_24 = arith.mulf %mul3A_23, %dot_general3A_22 : vector<10000x128xf32>
    %swap3A = arith.constant 0 : index
    %swap3A_25 = arith.constant 0 : index
    %swap3A_26 = vector.load %arg4[%swap3A, %swap3A_25] : memref<10000x128xf32, #tpu.memory_space<vmem>>, vector<10000x128xf32>
    tpu.vector_store %arg4[%swap3A, %swap3A_25], %mul3A_24 {strides = array<i32>} : memref<10000x128xf32, #tpu.memory_space<vmem>>, vector<10000x128xf32>,
    %mul3A_27 = arith.constant 5.000000e-01 : f32
    %mul3A_28 = vector.broadcast %mul3A_27 : f32 to vector<10000x128xf32>
    %mul3A_29 = arith.mulf %mul3A_28, %mul3A_24 : vector<10000x128xf32>
    %swap3A_30 = arith.constant 0 : index
    %swap3A_31 = arith.constant 0 : index
    %swap3A_32 = vector.load %arg5[%swap3A_30, %swap3A_31] : memref<10000x128xf32, #tpu.memory_space<vmem>>, vector<10000x128xf32>
    tpu.vector_store %arg5[%swap3A_30, %swap3A_31], %mul3A_29 {strides = array<i32>} : memref<10000x128xf32, #tpu.memory_space<vmem>>, vector<10000x128xf32>,
    return
  }
}

module attributes {stable_mosaic.version = 14 : i64} {
  func.func @_pred_body(%arg0: memref<2x10000x128xf32, #tpu.memory_space<vmem>>, %arg1: memref<10000x1xf32, #tpu.memory_space<vmem>>, %arg2: memref<128xf32, #tpu.memory_space<vmem>>, %arg3: memref<128x12xf32, #tpu.memory_space<vmem>>, %arg4: memref<12xf32, #tpu.memory_space<vmem>>, %arg5: memref<10000x12xf32, #tpu.memory_space<vmem>>) attributes {dimension_semantics = [], scalar_prefetch = 0 : i64, scratch_operands = 0 : i64, tpu.core_type = #tpu.core_type<tc>} {
    %get3A = arith.constant 0 : index
    %get3A_0 = arith.constant 0 : index
    %get3A_1 = vector.load %arg1[%get3A, %get3A_0] : memref<10000x1xf32, #tpu.memory_space<vmem>>, vector<10000x1xf32>
    %get3A_2 = arith.constant 0 : index
    %get3A_3 = arith.constant 0 : index
    %get3A_4 = arith.constant 0 : index
    %get3A_5 = vector.load %arg0[%get3A_2, %get3A_3, %get3A_4] : memref<2x10000x128xf32, #tpu.memory_space<vmem>>, vector<1x10000x128xf32>
    %get3A_6 = vector.shape_cast %get3A_5 : vector<1x10000x128xf32> to vector<10000x128xf32>
    %get3A_7 = arith.constant 1 : index
    %get3A_8 = arith.constant 0 : index
    %get3A_9 = arith.constant 0 : index
    %get3A_10 = vector.load %arg0[%get3A_7, %get3A_8, %get3A_9] : memref<2x10000x128xf32, #tpu.memory_space<vmem>>, vector<1x10000x128xf32>
    %get3A_11 = vector.shape_cast %get3A_10 : vector<1x10000x128xf32> to vector<10000x128xf32>
    %add3A = arith.addf %get3A_6, %get3A_11 : vector<10000x128xf32>
    %mul3A = vector.broadcast %get3A_1 : vector<10000x1xf32> to vector<10000x128xf32>
    %mul3A_12 = arith.mulf %mul3A, %add3A : vector<10000x128xf32>
    %get3A_13 = arith.constant 0 : index
    %get3A_14 = vector.load %arg2[%get3A_13] : memref<128xf32, #tpu.memory_space<vmem>>, vector<128xf32>
    %broadcast_in_dim3A = vector.shape_cast %get3A_14 : vector<128xf32> to vector<1x128xf32>
    %add3A_15 = vector.broadcast %broadcast_in_dim3A : vector<1x128xf32> to vector<10000x128xf32>
    %add3A_16 = arith.addf %mul3A_12, %add3A_15 : vector<10000x128xf32>
    %max3A = arith.constant 0.000000e+00 : f32
    %max3A_17 = vector.broadcast %max3A : f32 to vector<10000x128xf32>
    %max3A_18 = arith.maximumf %add3A_16, %max3A_17 : vector<10000x128xf32>
    %get3A_19 = arith.constant 0 : index
    %get3A_20 = arith.constant 0 : index
    %get3A_21 = vector.load %arg3[%get3A_19, %get3A_20] : memref<128x12xf32, #tpu.memory_space<vmem>>, vector<128x12xf32>
    %dot_general3A = arith.constant dense<0.000000e+00> : vector<10000x12xf32>
    %dot_general3A_22 = tpu.matmul %max3A_18, %get3A_21, %dot_general3A {dimension_numbers = #tpu.dot_dimension_numbers<[1], [0], [0], [1], [0, 0, 1, 1], [], []>, transpose_lhs_hint = false} : vector<10000x128xf32>, vector<128x12xf32>, vector<10000x12xf32> -> vector<10000x12xf32>
    %get3A_23 = arith.constant 0 : index
    %get3A_24 = vector.load %arg4[%get3A_23] : memref<12xf32, #tpu.memory_space<vmem>>, vector<12xf32>
    %broadcast_in_dim3A_25 = vector.shape_cast %get3A_24 : vector<12xf32> to vector<1x12xf32>
    %add3A_26 = vector.broadcast %broadcast_in_dim3A_25 : vector<1x12xf32> to vector<10000x12xf32>
    %add3A_27 = arith.addf %dot_general3A_22, %add3A_26 : vector<10000x12xf32>
    %swap3A = arith.constant 0 : index
    %swap3A_28 = arith.constant 0 : index
    %swap3A_29 = vector.load %arg5[%swap3A, %swap3A_28] : memref<10000x12xf32, #tpu.memory_space<vmem>>, vector<10000x12xf32>
    tpu.vector_store %arg5[%swap3A, %swap3A_28], %add3A_27 {strides = array<i32>} : memref<10000x12xf32, #tpu.memory_space<vmem>>, vector<10000x12xf32>,
    return
  }
}

</mosaic_0001>

<sc_bundles>
// kernel: kernel.11.cloned.1.call-start
scs
__scs_entry_jumppad:
0x0: {  	(pc) =	sbr.rel $0x88, $3  }
0x1: {  	(tag) =	ssettag $0x0;
	lr =	simm.s32 $0x1  }
0x2: {  	[smem:$0x3F97] =	sst lr;
	_ =	strace $0xD0000000  }
0x3: {  	_ = 	snop  }
0x4: {  	_ = 	snop  }
0x5: {  	_ = 	snop  }
0x6: {  	_ = 	snop  }
0x7: {  	_ = 	snop  }
__scs_overlays_trampoline_lowered:
0x8: {  	[smem:$0x3FA6] =	sst s0  }
0x9: {  	[smem:$0x3FA7] =	sst s1  }
0xa: {  	[smem:$0x3FA8] =	sst s2  }
0xb: {  	[smem:$0x3FA9] =	sst s3  }
0xc: {  	[smem:$0x3FAA] =	sst s4  }
0xd: {  	[smem:$0x3FAB] =	sst s5  }
0xe: {  	[smem:$0x3FAC] =	sst s6  }
0xf: {  	[smem:$0x3FAD] =	sst s7  }
0x10: {  	[smem:$0x3FAE] =	sst s8  }
0x11: {  	[smem:$0x3FAF] =	sst s9;
	s0 =	simm.s32 @!p0 $0x0  }
0x12: {  	s1 =	sld [smem:$0x3F95];
	s0 =	simm.s32 @p0 $0x1  }
0x13: {  	[smem:$0x3FB0] =	sst s0;
	s0 =	simm.s32 @!p1 $0x0  }
0x14: {  	s2 =	sld [smem:$0x3F94];
	s0 =	simm.s32 @p1 $0x1  }
0x15: {  	[smem:$0x3FB1] =	sst s0;
	s0 =	simm.s32 @!p2 $0x0  }
0x16: {  	s3 =	sld [smem:$0x3FDB];
	s0 =	simm.s32 @p2 $0x1  }
0x17: {  	s4 =	simm.s32 $0x1BF5;
	[smem:$0x3FB3] =	sst s0  }
0x18: {  	s0 =	sld [smem:$0x3F96];
	_ =	swait.ge [sflag:s4], $0x0  }
0x19: {  	s7 =	sld [smem:$0x3F97]  }
0x1a: {  	s8 =	sadd.s32 $0xFFFFE003, lr  }
0x1b: {  	s9 =	sadd.s32 $0xFFFFFEF7, lr;
	s5 =	simm.s32 $0xFFFFFFFF;
	p2 =	slt.u32 s8, $0xFFFFF086  }
0x1c: {  	p1 =	slt.u32 s9, $0xF7A;
	s5 =	simm.s32 @!p2 $0x0  }
0x1d: {  	s5 =	simm.s32 @p1 $0x1;
	p0 =	seq.s32 s7, s2  }
0x1e: {  	s7 =	smul.u32 @!p0 $0xF7A, s2;
	p2 =	seq.s32 @!p0 s5, $0x0  }
0x1f: {  	s9 =	smul.u32 $0xF7A, s1;
	s8 =	simm.s32 @!p0 $0x1BF5;
	p2 =	por !p2, p0  }
0x20: {  	[sflag:s8] =	ssyncset.s32 @!p0 $0xFFFFF086;
	s6 =	sadd.s32 @!p0 s3, s7;
	s7 =	simm.s32 @!p0 $0x108  }
0x21: {  	s3 =	sadd.s32 s3, s9;
	s6 =	sadd.s32 @!p0 $0x88, s6;
	s7 =	simm.s32 @p2 $0x1082  }
0x22: {  	[simem:s7], [sflag:s8] =	dma.local @!p0 [hbm:s6], $0xF7A  }
0x23: {  	s9 =	sor.u32 $0xD0000000, s2;
	s6 =	simm.s32 $0x108;
	_ =	swait.ge @!p0 [sflag:s8], $0x0  }
0x24: {  	s3 =	sadd.s32 $0x88, s3;
	s6 =	simm.s32 @!p1 $0x1082;
	[sflag:s4] =	ssyncset.s32 $0xFFFFF086  }
0x25: {  	[simem:s6], [sflag:s4] =	dma.local [hbm:s3], $0xF7A  }
0x26: {  	[smem:$0x3F97] =	sst s1;
	(tag) =	ssettag s2;
	_ =	strace s9  }
0x27: {  	s1 =	sld [smem:$0x3FA7]  }
0x28: {  	s2 =	sld [smem:$0x3FA8]  }
0x29: {  	s4 =	sld [smem:$0x3FAA]  }
0x2a: {  	p0 =	seq.s32 s5, $0x0;
	s5 =	sld [smem:$0x3FAB]  }
0x2b: {  	s6 =	sld [smem:$0x3FAC]  }
0x2c: {  	s7 =	sld [smem:$0x3FAD]  }
0x2d: {  	s3 =	simm.s32 $0x108;
	s8 =	sld [smem:$0x3FAE]  }
0x2e: {  	s3 =	simm.s32 @!p0 $0x1082;
	s9 =	sld [smem:$0x3FAF]  }
0x2f: {  	lr =	sadd.s32 s0, s3;
	s0 =	sld [smem:$0x3FA6]  }
0x30: {  	s3 =	sld [smem:$0x3FA9]  }
0x31: {  	[smem:$0x3FB2] =	sst s10  }
0x32: {  	s10 =	sld [smem:$0x3FB0];
	_ =	sdelay $0x3  }
0x33: {  	p0 =	seq.s32 s10, $0x1;
	s10 =	sld [smem:$0x3FB2];
	_ =	sdelay $0x3  }
0x34: {  	[smem:$0x3FB2] =	sst s10  }
0x35: {  	s10 =	sld [smem:$0x3FB1];
	_ =	sdelay $0x3  }
0x36: {  	p1 =	seq.s32 s10, $0x1;
	s10 =	sld [smem:$0x3FB2];
	_ =	sdelay $0x3  }
0x37: {  	[smem:$0x3FB2] =	sst s10  }
0x38: {  	s10 =	sld [smem:$0x3FB3]  }
0x39: {  	_ = 	snop;
	(pc) =	sbr.ind lr, $3  }
0x3a: {  	_ = 	snop  }
0x3b: {  	_ = 	snop  }
0x3c: {  	p2 =	seq.s32 s10, $0x1;
	s10 =	sld [smem:$0x3FB2]  }
0x3d: {  	_ =	shalt  }
0x3e: {  	_ =	shalt  }
0x3f: {  	_ =	shalt  }
0x40: {  	_ =	shalt  }
0x41: {  	_ =	shalt  }
0x42: {  	_ =	shalt  }
0x43: {  	_ =	shalt  }
0x44: {  	_ =	shalt  }
0x45: {  	_ =	shalt  }
0x46: {  	_ =	shalt  }
0x47: {  	_ =	shalt  }
0x48: {  	_ =	shalt  }
0x49: {  	_ =	shalt  }
0x4a: {  	_ =	shalt  }
0x4b: {  	_ =	shalt  }
0x4c: {  	_ =	shalt  }
0x4d: {  	_ =	shalt  }
0x4e: {  	_ =	shalt  }
0x4f: {  	_ =	shalt  }
0x50: {  	_ =	shalt  }
0x51: {  	_ =	shalt  }
0x52: {  	_ =	shalt  }
0x53: {  	_ =	shalt  }
0x54: {  	_ =	shalt  }
0x55: {  	_ =	shalt  }
0x56: {  	_ =	shalt  }
0x57: {  	_ =	shalt  }
0x58: {  	_ =	shalt  }
0x59: {  	_ =	shalt  }
0x5a: {  	_ =	shalt  }
0x5b: {  	_ =	shalt  }
0x5c: {  	_ =	shalt  }
0x5d: {  	_ =	shalt  }
0x5e: {  	_ =	shalt  }
0x5f: {  	_ =	shalt  }
0x60: {  	_ =	shalt  }
0x61: {  	_ =	shalt  }
0x62: {  	_ =	shalt  }
0x63: {  	_ =	shalt  }
0x64: {  	_ =	shalt  }
0x65: {  	_ =	shalt  }
0x66: {  	_ =	shalt  }
0x67: {  	_ =	shalt  }
0x68: {  	_ =	shalt  }
0x69: {  	_ =	shalt  }
0x6a: {  	_ =	shalt  }
0x6b: {  	_ =	shalt  }
0x6c: {  	_ =	shalt  }
0x6d: {  	_ =	shalt  }
0x6e: {  	_ =	shalt  }
0x6f: {  	_ =	shalt  }
0x70: {  	_ =	shalt  }
0x71: {  	_ =	shalt  }
0x72: {  	_ =	shalt  }
0x73: {  	_ =	shalt  }
0x74: {  	_ =	shalt  }
0x75: {  	_ =	shalt  }
0x76: {  	_ =	shalt  }
0x77: {  	_ =	shalt  }
0x78: {  	_ =	shalt  }
0x79: {  	_ =	shalt  }
0x7a: {  	_ =	shalt  }
0x7b: {  	_ =	shalt  }
0x7c: {  	_ =	shalt  }
0x7d: {  	_ =	shalt  }
0x7e: {  	_ =	shalt  }
0x7f: {  	_ =	shalt  }
0x80: {  	_ =	shalt  }
0x81: {  	_ =	shalt  }
0x82: {  	_ =	shalt  }
0x83: {  	_ =	shalt  }
0x84: {  	_ =	shalt  }
0x85: {  	_ =	shalt  }
0x86: {  	_ =	shalt  }
0x87: {  	_ =	shalt  }
.Lfunc_end0:
.L_simem_size_0:
called_computation_lowered:
.L_overlay_start_0:
0x88: {  	s2 =	sld [smem:$0x3FD9]  }
0x89: {  	s3 =	sld [smem:$0x3FFE];
	_ =	sdelay $0x1  }
0x8a: {  	s1 =	srdreg.scid  }
0x8b: {  	s0 =	sand.u32 $0x1, s1  }
0x8c: {  	s16 =	sshll.u32 s0, $0xA;
	s2 =	sadd.s32 s3, s2  }
0x8d: {  	s2 =	sadd.s32 s2, s16  }
0x8e: {  	[smem:$0x3FBE] =	sst s2  }
0x8f: {  	_ = 	snop  }
0x90: {  	(tm) =	ssettm $0x1  }
0x91: {  	s17 =	sld [smem:$0x3FFB];
	_ =	sdelay $0x3  }
0x92: {  	_ =	strace s17  }
0x93: {  	s2 =	sld [smem:$0x3FFC];
	_ =	sdelay $0x3  }
0x94: {  	_ =	strace s2  }
0x95: {  	s2 =	sld [smem:$0x3FFD];
	_ =	sdelay $0x3  }
0x96: {  	_ =	strace s2  }
0x97: {  	_ =	strace $0x8FFFFFFF  }
0x98: {  	s18 =	sld [smem:$0x3FDB];
	_ =	sdelay $0x1  }
0x99: {  	s19 =	simm.s32 $_scs_section_size  }
0x9a: {  	s4 =	simm.s32 $_size__tile_overlayer_lowered;
	s5 =	simm.s32 $_tile_overlayer_lowered  }
0x9b: {  	s22 =	simm.s32 $0x1BFF;
	s21 =	sshll.u32 s5, $0x1;
	s2 =	sadd.s32 s19, s18  }
0x9c: {  	s6 =	simm.s32 $0x0;
	s20 =	sshll.u32 s4, $0x1;
	s4 =	sadd.s32 s21, s2  }
0x9d: {  	[timem:s6], [sflag:s22] =	dma.local [hbm:s4], s20  }
0x9e: {  	_ =	swait.ge [sflag:s22], s20  }
0x9f: {  	s3 =	ssub.s32 $0x0, s20;
	[sflag:s22] =	ssyncset.done $0x0  }
0xa0: {  	[sflag:s22] =	ssyncadd.s32 s3;
	_ =	sdelay $0x1  }
0xa1: {  	s23 =	simm.s32 $0x1B8B  }
0xa2: {  	_ =	swait.ge [sflag:s23], $0x1  }
0xa3: {  	[sflag:s23] =	ssyncset.done $0x0  }
0xa4: {  	s25 =	simm.s32 $0x1B8E;
	s24 =	sld [smem:$0x3FFE];
	[sflag:s23] =	ssyncadd.s32 $0xFFFFFFFF  }
0xa5: {  	s26 =	simm.s32 $execute0_lowered;
	[smem:$0x3FD2] =	sst s25  }
0xa6: {  	s4 =	sshll.u32 s26, $0x1;
	_ =	strace $0x80000046;
	[dreg:$0x1] =	wrdreg $0xFFFFFFFF  }
0xa7: {  	s28 =	simm.s32 $_size_execute0_lowered;
	s2 =	sadd.s32 s2, s4;
	[dreg:$0x0] =	wrdreg $0x0  }
0xa8: {  	s4 =	sshll.u32 s28, $0x1;
	[dreg:$0x2] =	wrdreg s2  }
0xa9: {  	[dreg:$0x3] =	wrdreg s4  }
0xaa: {  	[dreg:$0x4] =	wrdreg $0xC0  }
0xab: {  	_ =	task [dreg:s6], $0x5FFFF  }
0xac: {  	[dreg:$0x1] =	wrdreg $0xFFFFFFFF  }
0xad: {  	[dreg:$0x0] =	wrdreg $0x60  }
0xae: {  	[dreg:$0x2] =	wrdreg s24  }
0xaf: {  	[dreg:$0x3] =	wrdreg $0x9  }
0xb0: {  	_ =	task.clear_ibuf [dreg:s6], $0x4FFFF;
	_ =	strace $0x90000046  }
0xb1: {  	s29 =	simm.s32 $0x9;
	_ =	strace $0x80000048  }
0xb2: {  	_ =	swait.ge [sflag:s29], $0x1  }
0xb3: {  	[sflag:s29] =	ssyncadd.s32 $0xFFFFFFFF  }
0xb4: {  	_ =	strace $0x90000048  }
0xb5: {  	_ =	sfence  }
0xb6: {  	s30 =	sld [smem:$0x0];
	_ =	sdelay $0x2  }
0xb7: {  	s31 =	sshll.u32 s1, $0xD;
	s1 =	sshrl.u32 s1, $0x2  }
0xb8: {  	s3 =	sand.u32 $0x4000, s31;
	s1 =	sadd.s32 s1, s30  }
0xb9: {  	s0 =	sor.u32 s3, s0;
	s1 =	sshll.u32 s1, $0x11  }
0xba: {  	s0 =	sor.u32 s1, s0  }
0xbb: {  	s0 =	sadd.s32 $0x8F2B, s0  }
0xbc: {  	[sflag:s0] =	ssyncadd.remote.s32 $0x1  }
0xbd: {  	_ =	sfence.sel $0xFFFF  }
0xbe: {  	[dreg:$0x0] =	wrdreg $0xFFFFFFFF;
	(pc) =	sbr.abs _section_cstart, $3  }
0xbf: {  	[dreg:$0x1] =	wrdreg $0xFFFFFFFF  }
0xc0: {  	_ =	task.clear_ibuf [dreg:s6], $0x2FFFF;
	_ =	strace $0x9FFFFFFF  }
0xc1: {  	(tm) =	ssettm $0x7FFFFFFF  }
tec
execute0_lowered:
.L_overlay_start_1:
0x0: {  	(tag) =	ssettag $0x1  }
0x1: {  	s0 =	srdreg.scid  }
0x2: {  	s3 =	sand.u32 $0x1, s0  }
0x3: {  	s4 =	rddreg [dreg:$0x0];
	s0 =	stileid.u32;
	s1 =	sshll.u32 s3, $0x4  }
0x4: {  	s2 =	simm.s32 $0x0;
	s8 =	simm.s32 $0x0;
	s5 =	sor.u32 s0, s1  }
0x5: {  	[smem:$0x7FF] =	sst s2;
	s3 =	ssub.s32 $0x2, s3;
	s6 =	smul.u32 $0x2780, s5  }
0x6: {  	s1 =	rddreg [dreg:$0x1];
	s7 =	sshrl.u32 s3, $0x1;
	s5 =	smul.u32 $0x4F0, s5  }
0x7: {  	_ =	strace $0x80000047;
	s31 =	ssub.s32 s3, s7;
	s7 =	simm.s32 $0x13C00  }
0x8: {  	s6 =	sadd.s32 s6, s4;
	s4 =	sadd.s32 s5, s4;
	s5 =	smax.u32 s31, $0x1  }
0x9: {  	v0 =	vimm.f32 $0.0e+00;
	v1 =	vimm.f32 $1.000000000e+00;
	s3 =	sadd.s32 $0x3600, s6;
	s4 =	sadd.s32 $0x52600, s4;
	s6 =	simm.s32 $0x1  }
.LBB2_1:
0xa: {  	[tilespmem:s2], [sflag:$0x1] =	stream.linear.gather [hbm4b:s3+s2], $0x13880, $0x38;
	[tilespmem:$0x16380] =	vst v63  }
0xb: {  	_ =	swait.ge [sflag:s6], $0x13880  }
0xc: {  	[sflag:s6] =	ssyncset.done $0x0  }
0xd: {  	s9 =	simm.s32 $0x0;
	[sflag:s6] =	ssyncadd.s32 $0xFFFEC780  }
.LBB2_2:
0xe: {  	p0 =	sne.s32 s9, $0x9C00  }
.Ltmp0:
0xf: {  	_ = 	snop;
	(pc) =	sbr.rel @p0 .LBB2_2-.Ltmp0, $3  }
0x10: {  	_ =	sdelay $0x1  }
0x11: {  	s10 =	sshra.s32 s9, $0x2  }
0x12: {  	s9 =	sadd.s32 $0x40, s9;
	[tilespmem:s10+$0x13C00] =	vst v0  }
0x13: {  	s10 =	simm.s32 $0x0;
	s9 =	simm.s32 $0x200  }
.LBB2_4:
0x14: {  	p0 =	sne.s32 s9, $0x4E000;
	v2 =	vld [tilespmem:s10+$0x0];
	_ =	sdelay $0x3  }
.Ltmp1:
0x15: {  	(pc) =	sbr.rel @p0 .LBB2_4-.Ltmp1, $2  }
0x16: {  	_ =	sdelay $0x2  }
0x17: {  	s10 =	sshra.s32 s9, $0x2;
	s9 =	sadd.s32 $0x200, s9;
	[tilespmem:v2+s7+$0x0] =	vst.idx.add.f32.msk $0xffff, v1  }
0x18: {  	v2 =	vld [tilespmem:s10+$0x0];
	_ =	sdelay $0x5  }
0x19: {  	s8 =	sadd.s32 $0x1, s8  }
0x1a: {  	p0 =	sne.s32 s8, s5  }
.Ltmp2:
0x1b: {  	[tilespmem:v2+s7+$0x0] =	vst.idx.add.f32.msk $0xffff, v1;
	(pc) =	sbr.rel @p0 .LBB2_1-.Ltmp2, $4  }
0x1c: {  	[hbm4b:s4+s2] =	stream.linear.scatter [tilespmem:s7], [sflag:$0x1], $0x2780, $0x38;
	[tilespmem:$0x16380] =	vst v63  }
0x1d: {  	_ =	swait.ge [sflag:s6], $0x2780  }
0x1e: {  	[sflag:s6] =	ssyncset.done $0x0  }
0x1f: {  	[sflag:s6] =	ssyncadd.s32 $0xFFFFD880  }
0x20: {  	_ =	sfence.sel $0x180000  }
0x21: {  	[bflag:$0x0] =	sbarrier.arrive $0xFFFF  }
0x22: {  	p0 =	sne.s32 s0, $0x0;
	_ =	strace $0x90000047  }
0x23: {  	s0 =	sadd.s32 @!p0 $0x100000, s1;
	[bflag:$0x2] =	sbarrier.arrive $0xFFFF  }
0x24: {  	[sflag:s0] =	ssyncadd.tile.s32 @!p0 $0x1;
	_ =	shalt  }
.Lfunc_end2:
_tile_overlayer_lowered:
.L_overlay_start_2:
0x25: {  	(tag) =	ssettag $0x2  }
0x26: {  	s0 =	rddreg [dreg:$0x0];
	s2 =	stileid.u32  }
0x27: {  	s1 =	rddreg [dreg:$0x1];
	p0 =	sne.s32 s2, $0x0  }
0x28: {  	s3 =	rddreg [dreg:$0x2];
	[bflag:$0x3] =	sbarrier.arrive $0xFFFF;
	s2 =	simm.s32 @!p0 $0x1C02  }
0x29: {  	[timem:s3], [sflag:s2] =	dma.local @!p0 [hbm:s0], s1  }
0x2a: {  	s0 =	simm.s32 @!p0 $0x2  }
0x2b: {  	_ =	swait.ge @!p0 [sflag:s0], s1  }
0x2c: {  	s1 =	ssub.s32 @!p0 $0x0, s1;
	[sflag:s0] =	ssyncset.done @!p0 $0x0  }
0x2d: {  	[sflag:s0] =	ssyncadd.s32 @!p0 s1  }
0x2e: {  	[bflag:$0x3] =	sbarrier.arrive $0xFFFF  }
0x2f: {  	_ =	shalt  }

// kernel: kernel.14.cloned.1.call-start
scs
__scs_entry_jumppad:
0x0: {  	(pc) =	sbr.rel $0x88, $3  }
0x1: {  	(tag) =	ssettag $0x0;
	lr =	simm.s32 $0x1  }
0x2: {  	[smem:$0x3F97] =	sst lr;
	_ =	strace $0xD0000000  }
0x3: {  	_ = 	snop  }
0x4: {  	_ = 	snop  }
0x5: {  	_ = 	snop  }
0x6: {  	_ = 	snop  }
0x7: {  	_ = 	snop  }
__scs_overlays_trampoline_lowered:
0x8: {  	[smem:$0x3FA6] =	sst s0  }
0x9: {  	[smem:$0x3FA7] =	sst s1  }
0xa: {  	[smem:$0x3FA8] =	sst s2  }
0xb: {  	[smem:$0x3FA9] =	sst s3  }
0xc: {  	[smem:$0x3FAA] =	sst s4  }
0xd: {  	[smem:$0x3FAB] =	sst s5  }
0xe: {  	[smem:$0x3FAC] =	sst s6  }
0xf: {  	[smem:$0x3FAD] =	sst s7  }
0x10: {  	[smem:$0x3FAE] =	sst s8  }
0x11: {  	[smem:$0x3FAF] =	sst s9;
	s0 =	simm.s32 @!p0 $0x0  }
0x12: {  	s1 =	sld [smem:$0x3F95];
	s0 =	simm.s32 @p0 $0x1  }
0x13: {  	[smem:$0x3FB0] =	sst s0;
	s0 =	simm.s32 @!p1 $0x0  }
0x14: {  	s2 =	sld [smem:$0x3F94];
	s0 =	simm.s32 @p1 $0x1  }
0x15: {  	[smem:$0x3FB1] =	sst s0;
	s0 =	simm.s32 @!p2 $0x0  }
0x16: {  	s3 =	sld [smem:$0x3FDB];
	s0 =	simm.s32 @p2 $0x1  }
0x17: {  	s4 =	simm.s32 $0x1BF5;
	[smem:$0x3FB3] =	sst s0  }
0x18: {  	s0 =	sld [smem:$0x3F96];
	_ =	swait.ge [sflag:s4], $0x0  }
0x19: {  	s7 =	sld [smem:$0x3F97]  }
0x1a: {  	s8 =	sadd.s32 $0xFFFFE003, lr  }
0x1b: {  	s9 =	sadd.s32 $0xFFFFFEF7, lr;
	s5 =	simm.s32 $0xFFFFFFFF;
	p2 =	slt.u32 s8, $0xFFFFF086  }
0x1c: {  	p1 =	slt.u32 s9, $0xF7A;
	s5 =	simm.s32 @!p2 $0x0  }
0x1d: {  	s5 =	simm.s32 @p1 $0x1;
	p0 =	seq.s32 s7, s2  }
0x1e: {  	s7 =	smul.u32 @!p0 $0xF7A, s2;
	p2 =	seq.s32 @!p0 s5, $0x0  }
0x1f: {  	s9 =	smul.u32 $0xF7A, s1;
	s8 =	simm.s32 @!p0 $0x1BF5;
	p2 =	por !p2, p0  }
0x20: {  	[sflag:s8] =	ssyncset.s32 @!p0 $0xFFFFF086;
	s6 =	sadd.s32 @!p0 s3, s7;
	s7 =	simm.s32 @!p0 $0x108  }
0x21: {  	s3 =	sadd.s32 s3, s9;
	s6 =	sadd.s32 @!p0 $0x88, s6;
	s7 =	simm.s32 @p2 $0x1082  }
0x22: {  	[simem:s7], [sflag:s8] =	dma.local @!p0 [hbm:s6], $0xF7A  }
0x23: {  	s9 =	sor.u32 $0xD0000000, s2;
	s6 =	simm.s32 $0x108;
	_ =	swait.ge @!p0 [sflag:s8], $0x0  }
0x24: {  	s3 =	sadd.s32 $0x88, s3;
	s6 =	simm.s32 @!p1 $0x1082;
	[sflag:s4] =	ssyncset.s32 $0xFFFFF086  }
0x25: {  	[simem:s6], [sflag:s4] =	dma.local [hbm:s3], $0xF7A  }
0x26: {  	[smem:$0x3F97] =	sst s1;
	(tag) =	ssettag s2;
	_ =	strace s9  }
0x27: {  	s1 =	sld [smem:$0x3FA7]  }
0x28: {  	s2 =	sld [smem:$0x3FA8]  }
0x29: {  	s4 =	sld [smem:$0x3FAA]  }
0x2a: {  	p0 =	seq.s32 s5, $0x0;
	s5 =	sld [smem:$0x3FAB]  }
0x2b: {  	s6 =	sld [smem:$0x3FAC]  }
0x2c: {  	s7 =	sld [smem:$0x3FAD]  }
0x2d: {  	s3 =	simm.s32 $0x108;
	s8 =	sld [smem:$0x3FAE]  }
0x2e: {  	s3 =	simm.s32 @!p0 $0x1082;
	s9 =	sld [smem:$0x3FAF]  }
0x2f: {  	lr =	sadd.s32 s0, s3;
	s0 =	sld [smem:$0x3FA6]  }
0x30: {  	s3 =	sld [smem:$0x3FA9]  }
0x31: {  	[smem:$0x3FB2] =	sst s10  }
0x32: {  	s10 =	sld [smem:$0x3FB0];
	_ =	sdelay $0x3  }
0x33: {  	p0 =	seq.s32 s10, $0x1;
	s10 =	sld [smem:$0x3FB2];
	_ =	sdelay $0x3  }
0x34: {  	[smem:$0x3FB2] =	sst s10  }
0x35: {  	s10 =	sld [smem:$0x3FB1];
	_ =	sdelay $0x3  }
0x36: {  	p1 =	seq.s32 s10, $0x1;
	s10 =	sld [smem:$0x3FB2];
	_ =	sdelay $0x3  }
0x37: {  	[smem:$0x3FB2] =	sst s10  }
0x38: {  	s10 =	sld [smem:$0x3FB3]  }
0x39: {  	_ = 	snop;
	(pc) =	sbr.ind lr, $3  }
0x3a: {  	_ = 	snop  }
0x3b: {  	_ = 	snop  }
0x3c: {  	p2 =	seq.s32 s10, $0x1;
	s10 =	sld [smem:$0x3FB2]  }
0x3d: {  	_ =	shalt  }
0x3e: {  	_ =	shalt  }
0x3f: {  	_ =	shalt  }
0x40: {  	_ =	shalt  }
0x41: {  	_ =	shalt  }
0x42: {  	_ =	shalt  }
0x43: {  	_ =	shalt  }
0x44: {  	_ =	shalt  }
0x45: {  	_ =	shalt  }
0x46: {  	_ =	shalt  }
0x47: {  	_ =	shalt  }
0x48: {  	_ =	shalt  }
0x49: {  	_ =	shalt  }
0x4a: {  	_ =	shalt  }
0x4b: {  	_ =	shalt  }
0x4c: {  	_ =	shalt  }
0x4d: {  	_ =	shalt  }
0x4e: {  	_ =	shalt  }
0x4f: {  	_ =	shalt  }
0x50: {  	_ =	shalt  }
0x51: {  	_ =	shalt  }
0x52: {  	_ =	shalt  }
0x53: {  	_ =	shalt  }
0x54: {  	_ =	shalt  }
0x55: {  	_ =	shalt  }
0x56: {  	_ =	shalt  }
0x57: {  	_ =	shalt  }
0x58: {  	_ =	shalt  }
0x59: {  	_ =	shalt  }
0x5a: {  	_ =	shalt  }
0x5b: {  	_ =	shalt  }
0x5c: {  	_ =	shalt  }
0x5d: {  	_ =	shalt  }
0x5e: {  	_ =	shalt  }
0x5f: {  	_ =	shalt  }
0x60: {  	_ =	shalt  }
0x61: {  	_ =	shalt  }
0x62: {  	_ =	shalt  }
0x63: {  	_ =	shalt  }
0x64: {  	_ =	shalt  }
0x65: {  	_ =	shalt  }
0x66: {  	_ =	shalt  }
0x67: {  	_ =	shalt  }
0x68: {  	_ =	shalt  }
0x69: {  	_ =	shalt  }
0x6a: {  	_ =	shalt  }
0x6b: {  	_ =	shalt  }
0x6c: {  	_ =	shalt  }
0x6d: {  	_ =	shalt  }
0x6e: {  	_ =	shalt  }
0x6f: {  	_ =	shalt  }
0x70: {  	_ =	shalt  }
0x71: {  	_ =	shalt  }
0x72: {  	_ =	shalt  }
0x73: {  	_ =	shalt  }
0x74: {  	_ =	shalt  }
0x75: {  	_ =	shalt  }
0x76: {  	_ =	shalt  }
0x77: {  	_ =	shalt  }
0x78: {  	_ =	shalt  }
0x79: {  	_ =	shalt  }
0x7a: {  	_ =	shalt  }
0x7b: {  	_ =	shalt  }
0x7c: {  	_ =	shalt  }
0x7d: {  	_ =	shalt  }
0x7e: {  	_ =	shalt  }
0x7f: {  	_ =	shalt  }
0x80: {  	_ =	shalt  }
0x81: {  	_ =	shalt  }
0x82: {  	_ =	shalt  }
0x83: {  	_ =	shalt  }
0x84: {  	_ =	shalt  }
0x85: {  	_ =	shalt  }
0x86: {  	_ =	shalt  }
0x87: {  	_ =	shalt  }
.Lfunc_end0:
.L_simem_size_0:
called_computation.1_lowered:
.L_overlay_start_0:
0x88: {  	s2 =	sld [smem:$0x3FD9]  }
0x89: {  	s3 =	sld [smem:$0x3FFE];
	_ =	sdelay $0x1  }
0x8a: {  	s1 =	srdreg.scid  }
0x8b: {  	s0 =	sand.u32 $0x1, s1  }
0x8c: {  	s16 =	sshll.u32 s0, $0xA;
	s2 =	sadd.s32 s3, s2  }
0x8d: {  	s2 =	sadd.s32 s2, s16  }
0x8e: {  	[smem:$0x3FBE] =	sst s2  }
0x8f: {  	_ = 	snop  }
0x90: {  	(tm) =	ssettm $0x1  }
0x91: {  	s17 =	sld [smem:$0x3FFB];
	_ =	sdelay $0x3  }
0x92: {  	_ =	strace s17  }
0x93: {  	s2 =	sld [smem:$0x3FFC];
	_ =	sdelay $0x3  }
0x94: {  	_ =	strace s2  }
0x95: {  	s2 =	sld [smem:$0x3FFD];
	_ =	sdelay $0x3  }
0x96: {  	_ =	strace s2  }
0x97: {  	_ =	strace $0x8FFFFFFF  }
0x98: {  	s18 =	sld [smem:$0x3FDB];
	_ =	sdelay $0x1  }
0x99: {  	s19 =	simm.s32 $_scs_section_size  }
0x9a: {  	s4 =	simm.s32 $_size__tile_overlayer_lowered;
	s5 =	simm.s32 $_tile_overlayer_lowered  }
0x9b: {  	s22 =	simm.s32 $0x1BFF;
	s21 =	sshll.u32 s5, $0x1;
	s2 =	sadd.s32 s19, s18  }
0x9c: {  	s6 =	simm.s32 $0x0;
	s20 =	sshll.u32 s4, $0x1;
	s4 =	sadd.s32 s21, s2  }
0x9d: {  	[timem:s6], [sflag:s22] =	dma.local [hbm:s4], s20  }
0x9e: {  	_ =	swait.ge [sflag:s22], s20  }
0x9f: {  	s3 =	ssub.s32 $0x0, s20;
	[sflag:s22] =	ssyncset.done $0x0  }
0xa0: {  	[sflag:s22] =	ssyncadd.s32 s3;
	_ =	sdelay $0x1  }
0xa1: {  	s23 =	simm.s32 $0x1B8B  }
0xa2: {  	_ =	swait.ge [sflag:s23], $0x1  }
0xa3: {  	[sflag:s23] =	ssyncset.done $0x0  }
0xa4: {  	s25 =	simm.s32 $0x1B8E;
	s24 =	sld [smem:$0x3FFE];
	[sflag:s23] =	ssyncadd.s32 $0xFFFFFFFF  }
0xa5: {  	s26 =	simm.s32 $execute0_lowered;
	[smem:$0x3FD2] =	sst s25  }
0xa6: {  	s4 =	sshll.u32 s26, $0x1;
	_ =	strace $0x80000049;
	[dreg:$0x1] =	wrdreg $0xFFFFFFFF  }
0xa7: {  	s28 =	simm.s32 $_size_execute0_lowered;
	s2 =	sadd.s32 s2, s4;
	[dreg:$0x0] =	wrdreg $0x0  }
0xa8: {  	s4 =	sshll.u32 s28, $0x1;
	[dreg:$0x2] =	wrdreg s2  }
0xa9: {  	[dreg:$0x3] =	wrdreg s4  }
0xaa: {  	[dreg:$0x4] =	wrdreg $0xC0  }
0xab: {  	_ =	task [dreg:s6], $0x5FFFF  }
0xac: {  	[dreg:$0x1] =	wrdreg $0xFFFFFFFF  }
0xad: {  	[dreg:$0x0] =	wrdreg $0x60  }
0xae: {  	[dreg:$0x2] =	wrdreg s24  }
0xaf: {  	[dreg:$0x3] =	wrdreg $0xC3800  }
0xb0: {  	[dreg:$0x4] =	wrdreg $0x9  }
0xb1: {  	_ =	task.clear_ibuf [dreg:s6], $0x5FFFF;
	_ =	strace $0x90000049  }
0xb2: {  	s29 =	simm.s32 $0x9;
	_ =	strace $0x8000004B  }
0xb3: {  	_ =	swait.ge [sflag:s29], $0x1  }
0xb4: {  	[sflag:s29] =	ssyncadd.s32 $0xFFFFFFFF  }
0xb5: {  	_ =	strace $0x9000004B  }
0xb6: {  	_ =	sfence  }
0xb7: {  	s30 =	sld [smem:$0x0];
	_ =	sdelay $0x2  }
0xb8: {  	s31 =	sshll.u32 s1, $0xD;
	s1 =	sshrl.u32 s1, $0x2  }
0xb9: {  	s3 =	sand.u32 $0x4000, s31;
	s1 =	sadd.s32 s1, s30  }
0xba: {  	s0 =	sor.u32 s3, s0;
	s1 =	sshll.u32 s1, $0x11  }
0xbb: {  	s0 =	sor.u32 s1, s0  }
0xbc: {  	s0 =	sadd.s32 $0x8F2B, s0  }
0xbd: {  	[sflag:s0] =	ssyncadd.remote.s32 $0x1  }
0xbe: {  	_ =	sfence.sel $0xFFFF  }
0xbf: {  	[dreg:$0x0] =	wrdreg $0xFFFFFFFF;
	(pc) =	sbr.abs _section_cstart, $3  }
0xc0: {  	[dreg:$0x1] =	wrdreg $0xFFFFFFFF  }
0xc1: {  	_ =	task.clear_ibuf [dreg:s6], $0x2FFFF;
	_ =	strace $0x9FFFFFFF  }
0xc2: {  	(tm) =	ssettm $0x7FFFFFFF  }
0xc3: {  	_ =	shalt  }
tec
execute0_lowered:
.L_overlay_start_1:
0x0: {  	(tag) =	ssettag $0x1  }
0x1: {  	s0 =	rddreg [dreg:$0x0]  }
0x2: {  	s1 =	rddreg [dreg:$0x1]  }
0x3: {  	s2 =	srdreg.scid;
	s3 =	simm.s32 $0x0;
	s23 =	stileid.u32  }
0x4: {  	s16 =	simm.s32 $0x5;
	s18 =	simm.s32 $0x68;
	s19 =	simm.s32 $0x5B80  }
0x5: {  	s20 =	simm.s32 $0x8F80;
	s21 =	simm.s32 $0x2;
	s22 =	simm.s32 $0x3  }
0x6: {  	s28 =	simm.s32 $0x5780;
	s29 =	simm.s32 $0x0;
	s8 =	smul.u32 $0x13800, s23  }
0x7: {  	s5 =	sand.u32 $0x1, s2;
	[smem:$0x7FF] =	sst s3;
	s12 =	smul.u32 $0x4E000, s23  }
0x8: {  	s13 =	sadd.s32 $0x73200, s0;
	s17 =	sadd.s32 $0x138000, s1;
	p0 =	sne.s32 s23, $0xF  }
0x9: {  	s31 =	sshll.u32 s23, $0x6;
	s4 =	sshll.u32 s5, $0x4;
	_ =	strace $0x8000004A  }
0xa: {  	s10 =	ssub.s32 $0x2, s5;
	s24 =	smul.u32 $0x138800, s5;
	s14 =	sor.u32 $0x1C05, s31  }
0xb: {  	s17 =	sshrl.u32 @!p0 s17, $0x3;
	s6 =	sor.u32 s23, s4;
	s4 =	sadd.s32 $0x3600, s0  }
0xc: {  	s9 =	sshrl.u32 s8, $0x3;
	s11 =	sshrl.u32 s10, $0x1;
	s25 =	sshrl.u32 s12, $0x2  }
0xd: {  	s12 =	simm.s32 $0x1;
	s23 =	simm.s32 $0x4;
	s7 =	smul.u32 $0x4F0, s6  }
0xe: {  	s6 =	smul.u32 $0x680, s6;
	s9 =	sadd.s32 s9, s0;
	s11 =	ssub.s32 s10, s11  }
0xf: {  	s15 =	sadd.s32 s25, s1;
	s8 =	sadd.s32 s8, s24;
	s10 =	sshrl.u32 s24, $0x3  }
0x10: {  	s24 =	simm.s32 $0x5680;
	s25 =	simm.s32 $0x5700;
	s26 =	sshrl.u32 s8, $0x3  }
0x11: {  	s8 =	sadd.s32 $0x51800, s0;
	s30 =	sadd.s32 s13, s10;
	s11 =	smax.u32 s11, $0x1  }
0x12: {  	s15 =	sshrl.u32 s15, $0x3;
	s7 =	sadd.s32 s7, s0;
	s6 =	sadd.s32 s6, s0  }
0x13: {  	s10 =	sadd.s32 $0x27000, s30;
	s5 =	sadd.s32 $0x69400, s7;
	s6 =	sadd.s32 $0x5C400, s6  }
0x14: {  	s7 =	sadd.s32 $0x2A800, s9;
	s9 =	sadd.s32 s13, s26;
	s26 =	simm.s32 $0x2700  }
.LBB2_1:
0x15: {  	[tilespmem:s3], [sflag:$0x1] =	stream.linear.gather [hbm4b:s5+s3], $0x2780, $0x38;
	[tilespmem:$0x1FC40] =	vst v63  }
0x16: {  	_ =	swait.ge [sflag:s12], $0x2780  }
0x17: {  	[sflag:s12] =	ssyncset.done $0x0  }
0x18: {  	s0 =	simm.s32 $0x2780;
	[sflag:s12] =	ssyncadd.s32 $0xFFFFD880  }
0x19: {  	[tilespmem:s0], [sflag:$0x1] =	stream.linear.gather [hbm4b:s6+s3], $0x3080, $0x38;
	[tilespmem:$0x1FC40] =	vst v63  }
0x1a: {  	_ =	swait.ge [sflag:s12], $0x3080  }
0x1b: {  	[sflag:s12] =	ssyncset.done $0x0  }
0x1c: {  	[sflag:s12] =	ssyncadd.s32 $0xFFFFCF80  }
0x1d: {  	[spmem:s15], [sflag:s14] =	dma.local [hbm:s7], $0x2700  }
0x1e: {  	_ =	swait.ge [sflag:s16], $0x2700  }
0x1f: {  	[sflag:s16] =	ssyncset.done $0x0  }
0x20: {  	s0 =	simm.s32 @!p0 $0x5;
	[sflag:s16] =	ssyncadd.s32 $0xFFFFD900  }
0x21: {  	[spmem:s17], [sflag:s14] =	dma.local @!p0 [hbm:s8], $0x100  }
0x22: {  	_ =	swait.ge @!p0 [sflag:s0], $0x100  }
0x23: {  	[sflag:s0] =	ssyncset.done @!p0 $0x0  }
0x24: {  	[sflag:s0] =	ssyncadd.s32 @!p0 $0xFFFFFF00  }
0x25: {  	[bflag:$0x0] =	sbarrier.arrive $0xFFFF  }
0x26: {  	[tilespmem:s19], [sflag:$0x1] =	stream.indirect.gather [hbm4b:s4+s18], $0x80, s3, s18, $0xb8;
	[tilespmem:$0x1FC40] =	vst v63  }
0x27: {  	_ = 	snop  }
0x28: {  	[tilespmem:s20], [sflag:$0x2] =	stream.indirect.gather [hbm4b:s4+s18], $0x80, s18, s18, $0xb8;
	[tilespmem:$0x1FC40] =	vst v63  }
0x29: {  	_ =	swait.ge [sflag:s12], $0x3400  }
0x2a: {  	[sflag:s12] =	ssyncset.done $0x0  }
0x2b: {  	s13 =	simm.s32 $0x2780;
	[sflag:s12] =	ssyncadd.s32 $0xFFFFCC00  }
0x2c: {  	[spmem:s1] =	stream.indirect.scatter.add.f32 [tilespmem:s19], [sflag:$0x3], $0x80, s13, s18, $0xb8;
	[tilespmem:$0x1FC40] =	vst v63  }
0x2d: {  	_ =	swait.ge [sflag:s21], $0x3400  }
0x2e: {  	[sflag:s21] =	ssyncset.done $0x0  }
0x2f: {  	s2 =	simm.s32 $0x2800;
	[sflag:s21] =	ssyncadd.s32 $0xFFFFCC00  }
0x30: {  	[spmem:s1] =	stream.indirect.scatter.add.f32 [tilespmem:s20], [sflag:$0x4], $0x80, s2, s18, $0xb8;
	[tilespmem:$0x1FC40] =	vst v63  }
0x31: {  	_ =	swait.ge [sflag:s22], $0x3400  }
0x32: {  	[sflag:s22] =	ssyncset.done $0x0  }
0x33: {  	s13 =	simm.s32 $0xD0;
	[sflag:s22] =	ssyncadd.s32 $0xFFFFCC00  }
0x34: {  	[tilespmem:s19], [sflag:$0x1] =	stream.indirect.gather [hbm4b:s4+s18], $0x80, s13, s18, $0xb8;
	[tilespmem:$0x1FC40] =	vst v63  }
0x35: {  	_ =	swait.ge [sflag:s23], $0x3400  }
0x36: {  	s30 =	simm.s32 $0x138;
	[sflag:s23] =	ssyncset.done $0x0  }
0x37: {  	s31 =	simm.s32 $0x400;
	s0 =	simm.s32 $0x208;
	[sflag:s23] =	ssyncadd.s32 $0xFFFFCC00  }
.LBB2_2:
0x38: {  	[tilespmem:s20], [sflag:$0x2] =	stream.indirect.gather [hbm4b:s4+s18], $0x80, s30, s18, $0xb8;
	[tilespmem:$0x1FC40] =	vst v63  }
0x39: {  	s2 =	smov.u32 s31;
	s30 =	smov.u32 s0  }
0x3a: {  	p1 =	sne.s32 s31, $0xB800;
	s31 =	sadd.s32 $0x400, s31;
	_ =	swait.ge [sflag:s12], $0x3400  }
0x3b: {  	s2 =	sshra.s32 s2, $0x2;
	[sflag:s12] =	ssyncset.done $0x0  }
0x3c: {  	s13 =	sadd.s32 $0x2780, s2;
	[sflag:s12] =	ssyncadd.s32 $0xFFFFCC00  }
0x3d: {  	[spmem:s1] =	stream.indirect.scatter.add.f32 [tilespmem:s19], [sflag:$0x3], $0x80, s13, s18, $0xb8;
	[tilespmem:$0x1FC40] =	vst v63  }
0x3e: {  	_ =	swait.ge [sflag:s21], $0x3400  }
0x3f: {  	[sflag:s21] =	ssyncset.done $0x0  }
0x40: {  	s2 =	sadd.s32 $0x2800, s2;
	[sflag:s21] =	ssyncadd.s32 $0xFFFFCC00  }
0x41: {  	[spmem:s1] =	stream.indirect.scatter.add.f32 [tilespmem:s20], [sflag:$0x4], $0x80, s2, s18, $0xb8;
	[tilespmem:$0x1FC40] =	vst v63  }
0x42: {  	_ =	swait.ge [sflag:s22], $0x3400  }
0x43: {  	[sflag:s22] =	ssyncset.done $0x0  }
.Ltmp0:
0x44: {  	s2 =	sadd.s32 $0xFFFFFF98, s0;
	[sflag:s22] =	ssyncadd.s32 $0xFFFFCC00;
	(pc) =	sbr.rel @p1 .LBB2_2-.Ltmp0, $4  }
0x45: {  	[tilespmem:s19], [sflag:$0x1] =	stream.indirect.gather [hbm4b:s4+s18], $0x80, s2, s18, $0xb8;
	[tilespmem:$0x1FC40] =	vst v63  }
0x46: {  	_ =	swait.ge [sflag:s23], $0x3400  }
0x47: {  	[sflag:s23] =	ssyncset.done $0x0  }
0x48: {  	s0 =	sadd.s32 $0xD0, s0;
	[sflag:s23] =	ssyncadd.s32 $0xFFFFCC00  }
0x49: {  	[tilespmem:s20], [sflag:$0x2] =	stream.indirect.gather [hbm4b:s4+s18], $0x80, s30, s18, $0xb8;
	[tilespmem:$0x1FC40] =	vst v63  }
0x4a: {  	_ =	swait.ge [sflag:s12], $0x3400  }
0x4b: {  	[sflag:s12] =	ssyncset.done $0x0  }
0x4c: {  	[sflag:s12] =	ssyncadd.s32 $0xFFFFCC00  }
0x4d: {  	[spmem:s1] =	stream.indirect.scatter.add.f32 [tilespmem:s19], [sflag:$0x3], $0x80, s24, s18, $0xb8;
	[tilespmem:$0x1FC40] =	vst v63  }
0x4e: {  	_ =	swait.ge [sflag:s21], $0x3400  }
0x4f: {  	[sflag:s21] =	ssyncset.done $0x0  }
0x50: {  	[sflag:s21] =	ssyncadd.s32 $0xFFFFCC00  }
0x51: {  	[spmem:s1] =	stream.indirect.scatter.add.f32 [tilespmem:s20], [sflag:$0x4], $0x80, s25, s18, $0xb8;
	[tilespmem:$0x1FC40] =	vst v63  }
0x52: {  	_ =	swait.ge [sflag:s22], $0x3400  }
0x53: {  	[sflag:s22] =	ssyncset.done $0x0  }
0x54: {  	[sflag:s22] =	ssyncadd.s32 $0xFFFFCC00  }
0x55: {  	[tilespmem:s19], [sflag:$0x1] =	stream.indirect.gather [hbm4b:s4+s18], $0x80, s26, s18, $0xb8;
	[tilespmem:$0x1FC40] =	vst v63  }
0x56: {  	_ =	swait.ge [sflag:s23], $0x3400  }
0x57: {  	[sflag:s23] =	ssyncset.done $0x0  }
0x58: {  	[sflag:s23] =	ssyncadd.s32 $0xFFFFCC00  }
0x59: {  	_ =	swait.ge [sflag:s12], $0x3400  }
0x5a: {  	[sflag:s12] =	ssyncset.done $0x0  }
0x5b: {  	[sflag:s12] =	ssyncadd.s32 $0xFFFFCC00  }
0x5c: {  	[spmem:s1] =	stream.indirect.scatter.add.f32 [tilespmem:s19], [sflag:$0x5], $0x80, s28, s18, $0xb8;
	[tilespmem:$0x1FC40] =	vst v63  }
0x5d: {  	_ =	swait.ge [sflag:s16], $0x3400  }
0x5e: {  	[sflag:s16] =	ssyncset.done $0x0  }
0x5f: {  	[sflag:s16] =	ssyncadd.s32 $0xFFFFCC00  }
0x60: {  	[bflag:$0x0] =	sbarrier.arrive $0xFFFF  }
0x61: {  	[hbm:s9], [sflag:s14] =	dma.local [spmem:s15], $0x2700  }
0x62: {  	s29 =	sadd.s32 $0x1, s29;
	_ =	swait.ge [sflag:s16], $0x2700  }
0x63: {  	p1 =	sne.s32 s29, s11;
	[sflag:s16] =	ssyncset.done $0x0  }
.Ltmp1:
0x64: {  	s0 =	simm.s32 @!p0 $0x5;
	[sflag:s16] =	ssyncadd.s32 $0xFFFFD900;
	(pc) =	sbr.rel @p1 .LBB2_1-.Ltmp1, $4  }
0x65: {  	[hbm:s10], [sflag:s14] =	dma.local @!p0 [spmem:s17], $0x100  }
0x66: {  	_ =	swait.ge @!p0 [sflag:s0], $0x100  }
0x67: {  	[sflag:s0] =	ssyncset.done @!p0 $0x0  }
0x68: {  	[sflag:s0] =	ssyncadd.s32 @!p0 $0xFFFFFF00  }
0x69: {  	_ =	sfence.sel $0x180000  }
0x6a: {  	[bflag:$0x0] =	sbarrier.arrive $0xFFFF  }
0x6b: {  	_ =	strace $0x9000004A  }
0x6c: {  	s0 =	stileid.u32;
	[bflag:$0x2] =	sbarrier.arrive $0xFFFF  }
0x6d: {  	p0 =	sne.s32 s0, $0x0;
	s0 =	rddreg [dreg:$0x2]  }
0x6e: {  	s0 =	sadd.s32 @!p0 $0x100000, s0  }
0x6f: {  	[sflag:s0] =	ssyncadd.tile.s32 @!p0 $0x1;
	_ =	shalt  }
.Lfunc_end2:
_tile_overlayer_lowered:
.L_overlay_start_2:
0x70: {  	(tag) =	ssettag $0x2  }
0x71: {  	s0 =	rddreg [dreg:$0x0];
	s2 =	stileid.u32  }
0x72: {  	s1 =	rddreg [dreg:$0x1];
	p0 =	sne.s32 s2, $0x0  }
0x73: {  	s3 =	rddreg [dreg:$0x2];
	[bflag:$0x3] =	sbarrier.arrive $0xFFFF;
	s2 =	simm.s32 @!p0 $0x1C05  }
0x74: {  	[timem:s3], [sflag:s2] =	dma.local @!p0 [hbm:s0], s1  }
0x75: {  	s0 =	simm.s32 @!p0 $0x5  }
0x76: {  	_ =	swait.ge @!p0 [sflag:s0], s1  }
0x77: {  	s1 =	ssub.s32 @!p0 $0x0, s1;
	[sflag:s0] =	ssyncset.done @!p0 $0x0  }
0x78: {  	[sflag:s0] =	ssyncadd.s32 @!p0 s1  }
0x79: {  	[bflag:$0x3] =	sbarrier.arrive $0xFFFF  }
0x7a: {  	_ =	shalt  }

// kernel: kernel.17.cloned.1.call-start
scs
__scs_entry_jumppad:
0x0: {  	(pc) =	sbr.rel $0x88, $3  }
0x1: {  	(tag) =	ssettag $0x0;
	lr =	simm.s32 $0x1  }
0x2: {  	[smem:$0x3F97] =	sst lr;
	_ =	strace $0xD0000000  }
0x3: {  	_ = 	snop  }
0x4: {  	_ = 	snop  }
0x5: {  	_ = 	snop  }
0x6: {  	_ = 	snop  }
0x7: {  	_ = 	snop  }
__scs_overlays_trampoline_lowered:
0x8: {  	[smem:$0x3FA6] =	sst s0  }
0x9: {  	[smem:$0x3FA7] =	sst s1  }
0xa: {  	[smem:$0x3FA8] =	sst s2  }
0xb: {  	[smem:$0x3FA9] =	sst s3  }
0xc: {  	[smem:$0x3FAA] =	sst s4  }
0xd: {  	[smem:$0x3FAB] =	sst s5  }
0xe: {  	[smem:$0x3FAC] =	sst s6  }
0xf: {  	[smem:$0x3FAD] =	sst s7  }
0x10: {  	[smem:$0x3FAE] =	sst s8  }
0x11: {  	[smem:$0x3FAF] =	sst s9;
	s0 =	simm.s32 @!p0 $0x0  }
0x12: {  	s1 =	sld [smem:$0x3F95];
	s0 =	simm.s32 @p0 $0x1  }
0x13: {  	[smem:$0x3FB0] =	sst s0;
	s0 =	simm.s32 @!p1 $0x0  }
0x14: {  	s2 =	sld [smem:$0x3F94];
	s0 =	simm.s32 @p1 $0x1  }
0x15: {  	[smem:$0x3FB1] =	sst s0;
	s0 =	simm.s32 @!p2 $0x0  }
0x16: {  	s3 =	sld [smem:$0x3FDB];
	s0 =	simm.s32 @p2 $0x1  }
0x17: {  	s4 =	simm.s32 $0x1BF5;
	[smem:$0x3FB3] =	sst s0  }
0x18: {  	s0 =	sld [smem:$0x3F96];
	_ =	swait.ge [sflag:s4], $0x0  }
0x19: {  	s7 =	sld [smem:$0x3F97]  }
0x1a: {  	s8 =	sadd.s32 $0xFFFFE003, lr  }
0x1b: {  	s9 =	sadd.s32 $0xFFFFFEF7, lr;
	s5 =	simm.s32 $0xFFFFFFFF;
	p2 =	slt.u32 s8, $0xFFFFF086  }
0x1c: {  	p1 =	slt.u32 s9, $0xF7A;
	s5 =	simm.s32 @!p2 $0x0  }
0x1d: {  	s5 =	simm.s32 @p1 $0x1;
	p0 =	seq.s32 s7, s2  }
0x1e: {  	s7 =	smul.u32 @!p0 $0xF7A, s2;
	p2 =	seq.s32 @!p0 s5, $0x0  }
0x1f: {  	s9 =	smul.u32 $0xF7A, s1;
	s8 =	simm.s32 @!p0 $0x1BF5;
	p2 =	por !p2, p0  }
0x20: {  	[sflag:s8] =	ssyncset.s32 @!p0 $0xFFFFF086;
	s6 =	sadd.s32 @!p0 s3, s7;
	s7 =	simm.s32 @!p0 $0x108  }
0x21: {  	s3 =	sadd.s32 s3, s9;
	s6 =	sadd.s32 @!p0 $0x88, s6;
	s7 =	simm.s32 @p2 $0x1082  }
0x22: {  	[simem:s7], [sflag:s8] =	dma.local @!p0 [hbm:s6], $0xF7A  }
0x23: {  	s9 =	sor.u32 $0xD0000000, s2;
	s6 =	simm.s32 $0x108;
	_ =	swait.ge @!p0 [sflag:s8], $0x0  }
0x24: {  	s3 =	sadd.s32 $0x88, s3;
	s6 =	simm.s32 @!p1 $0x1082;
	[sflag:s4] =	ssyncset.s32 $0xFFFFF086  }
0x25: {  	[simem:s6], [sflag:s4] =	dma.local [hbm:s3], $0xF7A  }
0x26: {  	[smem:$0x3F97] =	sst s1;
	(tag) =	ssettag s2;
	_ =	strace s9  }
0x27: {  	s1 =	sld [smem:$0x3FA7]  }
0x28: {  	s2 =	sld [smem:$0x3FA8]  }
0x29: {  	s4 =	sld [smem:$0x3FAA]  }
0x2a: {  	p0 =	seq.s32 s5, $0x0;
	s5 =	sld [smem:$0x3FAB]  }
0x2b: {  	s6 =	sld [smem:$0x3FAC]  }
0x2c: {  	s7 =	sld [smem:$0x3FAD]  }
0x2d: {  	s3 =	simm.s32 $0x108;
	s8 =	sld [smem:$0x3FAE]  }
0x2e: {  	s3 =	simm.s32 @!p0 $0x1082;
	s9 =	sld [smem:$0x3FAF]  }
0x2f: {  	lr =	sadd.s32 s0, s3;
	s0 =	sld [smem:$0x3FA6]  }
0x30: {  	s3 =	sld [smem:$0x3FA9]  }
0x31: {  	[smem:$0x3FB2] =	sst s10  }
0x32: {  	s10 =	sld [smem:$0x3FB0];
	_ =	sdelay $0x3  }
0x33: {  	p0 =	seq.s32 s10, $0x1;
	s10 =	sld [smem:$0x3FB2];
	_ =	sdelay $0x3  }
0x34: {  	[smem:$0x3FB2] =	sst s10  }
0x35: {  	s10 =	sld [smem:$0x3FB1];
	_ =	sdelay $0x3  }
0x36: {  	p1 =	seq.s32 s10, $0x1;
	s10 =	sld [smem:$0x3FB2];
	_ =	sdelay $0x3  }
0x37: {  	[smem:$0x3FB2] =	sst s10  }
0x38: {  	s10 =	sld [smem:$0x3FB3]  }
0x39: {  	_ = 	snop;
	(pc) =	sbr.ind lr, $3  }
0x3a: {  	_ = 	snop  }
0x3b: {  	_ = 	snop  }
0x3c: {  	p2 =	seq.s32 s10, $0x1;
	s10 =	sld [smem:$0x3FB2]  }
0x3d: {  	_ =	shalt  }
0x3e: {  	_ =	shalt  }
0x3f: {  	_ =	shalt  }
0x40: {  	_ =	shalt  }
0x41: {  	_ =	shalt  }
0x42: {  	_ =	shalt  }
0x43: {  	_ =	shalt  }
0x44: {  	_ =	shalt  }
0x45: {  	_ =	shalt  }
0x46: {  	_ =	shalt  }
0x47: {  	_ =	shalt  }
0x48: {  	_ =	shalt  }
0x49: {  	_ =	shalt  }
0x4a: {  	_ =	shalt  }
0x4b: {  	_ =	shalt  }
0x4c: {  	_ =	shalt  }
0x4d: {  	_ =	shalt  }
0x4e: {  	_ =	shalt  }
0x4f: {  	_ =	shalt  }
0x50: {  	_ =	shalt  }
0x51: {  	_ =	shalt  }
0x52: {  	_ =	shalt  }
0x53: {  	_ =	shalt  }
0x54: {  	_ =	shalt  }
0x55: {  	_ =	shalt  }
0x56: {  	_ =	shalt  }
0x57: {  	_ =	shalt  }
0x58: {  	_ =	shalt  }
0x59: {  	_ =	shalt  }
0x5a: {  	_ =	shalt  }
0x5b: {  	_ =	shalt  }
0x5c: {  	_ =	shalt  }
0x5d: {  	_ =	shalt  }
0x5e: {  	_ =	shalt  }
0x5f: {  	_ =	shalt  }
0x60: {  	_ =	shalt  }
0x61: {  	_ =	shalt  }
0x62: {  	_ =	shalt  }
0x63: {  	_ =	shalt  }
0x64: {  	_ =	shalt  }
0x65: {  	_ =	shalt  }
0x66: {  	_ =	shalt  }
0x67: {  	_ =	shalt  }
0x68: {  	_ =	shalt  }
0x69: {  	_ =	shalt  }
0x6a: {  	_ =	shalt  }
0x6b: {  	_ =	shalt  }
0x6c: {  	_ =	shalt  }
0x6d: {  	_ =	shalt  }
0x6e: {  	_ =	shalt  }
0x6f: {  	_ =	shalt  }
0x70: {  	_ =	shalt  }
0x71: {  	_ =	shalt  }
0x72: {  	_ =	shalt  }
0x73: {  	_ =	shalt  }
0x74: {  	_ =	shalt  }
0x75: {  	_ =	shalt  }
0x76: {  	_ =	shalt  }
0x77: {  	_ =	shalt  }
0x78: {  	_ =	shalt  }
0x79: {  	_ =	shalt  }
0x7a: {  	_ =	shalt  }
0x7b: {  	_ =	shalt  }
0x7c: {  	_ =	shalt  }
0x7d: {  	_ =	shalt  }
0x7e: {  	_ =	shalt  }
0x7f: {  	_ =	shalt  }
0x80: {  	_ =	shalt  }
0x81: {  	_ =	shalt  }
0x82: {  	_ =	shalt  }
0x83: {  	_ =	shalt  }
0x84: {  	_ =	shalt  }
0x85: {  	_ =	shalt  }
0x86: {  	_ =	shalt  }
0x87: {  	_ =	shalt  }
.Lfunc_end0:
.L_simem_size_0:
called_computation.2_lowered:
.L_overlay_start_0:
0x88: {  	s2 =	sld [smem:$0x3FD9]  }
0x89: {  	s3 =	sld [smem:$0x3FFE];
	_ =	sdelay $0x1  }
0x8a: {  	s1 =	srdreg.scid  }
0x8b: {  	s0 =	sand.u32 $0x1, s1  }
0x8c: {  	s16 =	sshll.u32 s0, $0xA;
	s2 =	sadd.s32 s3, s2  }
0x8d: {  	s2 =	sadd.s32 s2, s16  }
0x8e: {  	[smem:$0x3FBE] =	sst s2  }
0x8f: {  	_ = 	snop  }
0x90: {  	(tm) =	ssettm $0x1  }
0x91: {  	s17 =	sld [smem:$0x3FFB];
	_ =	sdelay $0x3  }
0x92: {  	_ =	strace s17  }
0x93: {  	s2 =	sld [smem:$0x3FFC];
	_ =	sdelay $0x3  }
0x94: {  	_ =	strace s2  }
0x95: {  	s2 =	sld [smem:$0x3FFD];
	_ =	sdelay $0x3  }
0x96: {  	_ =	strace s2  }
0x97: {  	_ =	strace $0x8FFFFFFF  }
0x98: {  	s18 =	sld [smem:$0x3FDB];
	_ =	sdelay $0x1  }
0x99: {  	s19 =	simm.s32 $_scs_section_size  }
0x9a: {  	s4 =	simm.s32 $_size__tile_overlayer_lowered;
	s5 =	simm.s32 $_tile_overlayer_lowered  }
0x9b: {  	s22 =	simm.s32 $0x1BFF;
	s21 =	sshll.u32 s5, $0x1;
	s2 =	sadd.s32 s19, s18  }
0x9c: {  	s6 =	simm.s32 $0x0;
	s20 =	sshll.u32 s4, $0x1;
	s4 =	sadd.s32 s21, s2  }
0x9d: {  	[timem:s6], [sflag:s22] =	dma.local [hbm:s4], s20  }
0x9e: {  	_ =	swait.ge [sflag:s22], s20  }
0x9f: {  	s3 =	ssub.s32 $0x0, s20;
	[sflag:s22] =	ssyncset.done $0x0  }
0xa0: {  	[sflag:s22] =	ssyncadd.s32 s3;
	_ =	sdelay $0x1  }
0xa1: {  	s23 =	simm.s32 $0x1B8B  }
0xa2: {  	_ =	swait.ge [sflag:s23], $0x1  }
0xa3: {  	[sflag:s23] =	ssyncset.done $0x0  }
0xa4: {  	s25 =	simm.s32 $0x1B8E;
	s24 =	sld [smem:$0x3FFE];
	[sflag:s23] =	ssyncadd.s32 $0xFFFFFFFF  }
0xa5: {  	s26 =	simm.s32 $execute0_lowered;
	[smem:$0x3FD2] =	sst s25  }
0xa6: {  	s4 =	sshll.u32 s26, $0x1;
	_ =	strace $0x8000004C;
	[dreg:$0x1] =	wrdreg $0xFFFFFFFF  }
0xa7: {  	s28 =	simm.s32 $_size_execute0_lowered;
	s2 =	sadd.s32 s2, s4;
	[dreg:$0x0] =	wrdreg $0x0  }
0xa8: {  	s4 =	sshll.u32 s28, $0x1;
	[dreg:$0x2] =	wrdreg s2  }
0xa9: {  	[dreg:$0x3] =	wrdreg s4  }
0xaa: {  	[dreg:$0x4] =	wrdreg $0xC0  }
0xab: {  	_ =	task [dreg:s6], $0x5FFFF  }
0xac: {  	[dreg:$0x1] =	wrdreg $0xFFFFFFFF  }
0xad: {  	[dreg:$0x0] =	wrdreg $0x60  }
0xae: {  	[dreg:$0x2] =	wrdreg s24  }
0xaf: {  	[dreg:$0x3] =	wrdreg $0xC3800  }
0xb0: {  	[dreg:$0x4] =	wrdreg $0x9  }
0xb1: {  	_ =	task.clear_ibuf [dreg:s6], $0x5FFFF;
	_ =	strace $0x9000004C  }
0xb2: {  	s29 =	simm.s32 $0x9;
	_ =	strace $0x8000004E  }
0xb3: {  	_ =	swait.ge [sflag:s29], $0x1  }
0xb4: {  	[sflag:s29] =	ssyncadd.s32 $0xFFFFFFFF  }
0xb5: {  	_ =	strace $0x9000004E  }
0xb6: {  	_ =	sfence  }
0xb7: {  	s30 =	sld [smem:$0x0];
	_ =	sdelay $0x2  }
0xb8: {  	s31 =	sshll.u32 s1, $0xD;
	s1 =	sshrl.u32 s1, $0x2  }
0xb9: {  	s3 =	sand.u32 $0x4000, s31;
	s1 =	sadd.s32 s1, s30  }
0xba: {  	s0 =	sor.u32 s3, s0;
	s1 =	sshll.u32 s1, $0x11  }
0xbb: {  	s0 =	sor.u32 s1, s0  }
0xbc: {  	s0 =	sadd.s32 $0x8F2B, s0  }
0xbd: {  	[sflag:s0] =	ssyncadd.remote.s32 $0x1  }
0xbe: {  	_ =	sfence.sel $0xFFFF  }
0xbf: {  	[dreg:$0x0] =	wrdreg $0xFFFFFFFF;
	(pc) =	sbr.abs _section_cstart, $3  }
0xc0: {  	[dreg:$0x1] =	wrdreg $0xFFFFFFFF  }
0xc1: {  	_ =	task.clear_ibuf [dreg:s6], $0x2FFFF;
	_ =	strace $0x9FFFFFFF  }
0xc2: {  	(tm) =	ssettm $0x7FFFFFFF  }
0xc3: {  	_ =	shalt  }
tec
execute0_lowered:
.L_overlay_start_1:
0x0: {  	(tag) =	ssettag $0x1  }
0x1: {  	s0 =	rddreg [dreg:$0x0]  }
0x2: {  	s1 =	rddreg [dreg:$0x1]  }
0x3: {  	s2 =	srdreg.scid;
	s3 =	simm.s32 $0x0;
	s23 =	stileid.u32  }
0x4: {  	s16 =	simm.s32 $0x5;
	s18 =	simm.s32 $0x68;
	s19 =	simm.s32 $0x5B80  }
0x5: {  	s20 =	simm.s32 $0x8F80;
	s21 =	simm.s32 $0x2;
	s22 =	simm.s32 $0x3  }
0x6: {  	s28 =	simm.s32 $0x5780;
	s29 =	simm.s32 $0x0;
	s8 =	smul.u32 $0x13800, s23  }
0x7: {  	s5 =	sand.u32 $0x1, s2;
	[smem:$0x7FF] =	sst s3;
	s12 =	smul.u32 $0x4E000, s23  }
0x8: {  	s13 =	sadd.s32 $0x73200, s0;
	s17 =	sadd.s32 $0x138000, s1;
	p0 =	sne.s32 s23, $0xF  }
0x9: {  	s31 =	sshll.u32 s23, $0x6;
	s4 =	sshll.u32 s5, $0x4;
	_ =	strace $0x8000004D  }
0xa: {  	s10 =	ssub.s32 $0x2, s5;
	s24 =	smul.u32 $0x138800, s5;
	s14 =	sor.u32 $0x1C05, s31  }
0xb: {  	s17 =	sshrl.u32 @!p0 s17, $0x3;
	s6 =	sor.u32 s23, s4;
	s4 =	sadd.s32 $0x3600, s0  }
0xc: {  	s9 =	sshrl.u32 s8, $0x3;
	s11 =	sshrl.u32 s10, $0x1;
	s25 =	sshrl.u32 s12, $0x2  }
0xd: {  	s12 =	simm.s32 $0x1;
	s23 =	simm.s32 $0x4;
	s7 =	smul.u32 $0x4F0, s6  }
0xe: {  	s6 =	smul.u32 $0x680, s6;
	s9 =	sadd.s32 s9, s0;
	s11 =	ssub.s32 s10, s11  }
0xf: {  	s15 =	sadd.s32 s25, s1;
	s8 =	sadd.s32 s8, s24;
	s10 =	sshrl.u32 s24, $0x3  }
0x10: {  	s24 =	simm.s32 $0x5680;
	s25 =	simm.s32 $0x5700;
	s26 =	sshrl.u32 s8, $0x3  }
0x11: {  	s8 =	sadd.s32 $0x51800, s0;
	s30 =	sadd.s32 s13, s10;
	s11 =	smax.u32 s11, $0x1  }
0x12: {  	s15 =	sshrl.u32 s15, $0x3;
	s7 =	sadd.s32 s7, s0;
	s6 =	sadd.s32 s6, s0  }
0x13: {  	s10 =	sadd.s32 $0x27000, s30;
	s5 =	sadd.s32 $0x69400, s7;
	s6 =	sadd.s32 $0x5C400, s6  }
0x14: {  	s7 =	sadd.s32 $0x2A800, s9;
	s9 =	sadd.s32 s13, s26;
	s26 =	simm.s32 $0x2700  }
.LBB2_1:
0x15: {  	[tilespmem:s3], [sflag:$0x1] =	stream.linear.gather [hbm4b:s5+s3], $0x2780, $0x38;
	[tilespmem:$0x1FC40] =	vst v63  }
0x16: {  	_ =	swait.ge [sflag:s12], $0x2780  }
0x17: {  	[sflag:s12] =	ssyncset.done $0x0  }
0x18: {  	s0 =	simm.s32 $0x2780;
	[sflag:s12] =	ssyncadd.s32 $0xFFFFD880  }
0x19: {  	[tilespmem:s0], [sflag:$0x1] =	stream.linear.gather [hbm4b:s6+s3], $0x3080, $0x38;
	[tilespmem:$0x1FC40] =	vst v63  }
0x1a: {  	_ =	swait.ge [sflag:s12], $0x3080  }
0x1b: {  	[sflag:s12] =	ssyncset.done $0x0  }
0x1c: {  	[sflag:s12] =	ssyncadd.s32 $0xFFFFCF80  }
0x1d: {  	[spmem:s15], [sflag:s14] =	dma.local [hbm:s7], $0x2700  }
0x1e: {  	_ =	swait.ge [sflag:s16], $0x2700  }
0x1f: {  	[sflag:s16] =	ssyncset.done $0x0  }
0x20: {  	s0 =	simm.s32 @!p0 $0x5;
	[sflag:s16] =	ssyncadd.s32 $0xFFFFD900  }
0x21: {  	[spmem:s17], [sflag:s14] =	dma.local @!p0 [hbm:s8], $0x100  }
0x22: {  	_ =	swait.ge @!p0 [sflag:s0], $0x100  }
0x23: {  	[sflag:s0] =	ssyncset.done @!p0 $0x0  }
0x24: {  	[sflag:s0] =	ssyncadd.s32 @!p0 $0xFFFFFF00  }
0x25: {  	[bflag:$0x0] =	sbarrier.arrive $0xFFFF  }
0x26: {  	[tilespmem:s19], [sflag:$0x1] =	stream.indirect.gather [hbm4b:s4+s18], $0x80, s3, s18, $0xb8;
	[tilespmem:$0x1FC40] =	vst v63  }
0x27: {  	_ = 	snop  }
0x28: {  	[tilespmem:s20], [sflag:$0x2] =	stream.indirect.gather [hbm4b:s4+s18], $0x80, s18, s18, $0xb8;
	[tilespmem:$0x1FC40] =	vst v63  }
0x29: {  	_ =	swait.ge [sflag:s12], $0x3400  }
0x2a: {  	[sflag:s12] =	ssyncset.done $0x0  }
0x2b: {  	s13 =	simm.s32 $0x2780;
	[sflag:s12] =	ssyncadd.s32 $0xFFFFCC00  }
0x2c: {  	[spmem:s1] =	stream.indirect.scatter.add.f32 [tilespmem:s19], [sflag:$0x3], $0x80, s13, s18, $0xb8;
	[tilespmem:$0x1FC40] =	vst v63  }
0x2d: {  	_ =	swait.ge [sflag:s21], $0x3400  }
0x2e: {  	[sflag:s21] =	ssyncset.done $0x0  }
0x2f: {  	s2 =	simm.s32 $0x2800;
	[sflag:s21] =	ssyncadd.s32 $0xFFFFCC00  }
0x30: {  	[spmem:s1] =	stream.indirect.scatter.add.f32 [tilespmem:s20], [sflag:$0x4], $0x80, s2, s18, $0xb8;
	[tilespmem:$0x1FC40] =	vst v63  }
0x31: {  	_ =	swait.ge [sflag:s22], $0x3400  }
0x32: {  	[sflag:s22] =	ssyncset.done $0x0  }
0x33: {  	s13 =	simm.s32 $0xD0;
	[sflag:s22] =	ssyncadd.s32 $0xFFFFCC00  }
0x34: {  	[tilespmem:s19], [sflag:$0x1] =	stream.indirect.gather [hbm4b:s4+s18], $0x80, s13, s18, $0xb8;
	[tilespmem:$0x1FC40] =	vst v63  }
0x35: {  	_ =	swait.ge [sflag:s23], $0x3400  }
0x36: {  	s30 =	simm.s32 $0x138;
	[sflag:s23] =	ssyncset.done $0x0  }
0x37: {  	s31 =	simm.s32 $0x400;
	s0 =	simm.s32 $0x208;
	[sflag:s23] =	ssyncadd.s32 $0xFFFFCC00  }
.LBB2_2:
0x38: {  	[tilespmem:s20], [sflag:$0x2] =	stream.indirect.gather [hbm4b:s4+s18], $0x80, s30, s18, $0xb8;
	[tilespmem:$0x1FC40] =	vst v63  }
0x39: {  	s2 =	smov.u32 s31;
	s30 =	smov.u32 s0  }
0x3a: {  	p1 =	sne.s32 s31, $0xB800;
	s31 =	sadd.s32 $0x400, s31;
	_ =	swait.ge [sflag:s12], $0x3400  }
0x3b: {  	s2 =	sshra.s32 s2, $0x2;
	[sflag:s12] =	ssyncset.done $0x0  }
0x3c: {  	s13 =	sadd.s32 $0x2780, s2;
	[sflag:s12] =	ssyncadd.s32 $0xFFFFCC00  }
0x3d: {  	[spmem:s1] =	stream.indirect.scatter.add.f32 [tilespmem:s19], [sflag:$0x3], $0x80, s13, s18, $0xb8;
	[tilespmem:$0x1FC40] =	vst v63  }
0x3e: {  	_ =	swait.ge [sflag:s21], $0x3400  }
0x3f: {  	[sflag:s21] =	ssyncset.done $0x0  }
0x40: {  	s2 =	sadd.s32 $0x2800, s2;
	[sflag:s21] =	ssyncadd.s32 $0xFFFFCC00  }
0x41: {  	[spmem:s1] =	stream.indirect.scatter.add.f32 [tilespmem:s20], [sflag:$0x4], $0x80, s2, s18, $0xb8;
	[tilespmem:$0x1FC40] =	vst v63  }
0x42: {  	_ =	swait.ge [sflag:s22], $0x3400  }
0x43: {  	[sflag:s22] =	ssyncset.done $0x0  }
.Ltmp0:
0x44: {  	s2 =	sadd.s32 $0xFFFFFF98, s0;
	[sflag:s22] =	ssyncadd.s32 $0xFFFFCC00;
	(pc) =	sbr.rel @p1 .LBB2_2-.Ltmp0, $4  }
0x45: {  	[tilespmem:s19], [sflag:$0x1] =	stream.indirect.gather [hbm4b:s4+s18], $0x80, s2, s18, $0xb8;
	[tilespmem:$0x1FC40] =	vst v63  }
0x46: {  	_ =	swait.ge [sflag:s23], $0x3400  }
0x47: {  	[sflag:s23] =	ssyncset.done $0x0  }
0x48: {  	s0 =	sadd.s32 $0xD0, s0;
	[sflag:s23] =	ssyncadd.s32 $0xFFFFCC00  }
0x49: {  	[tilespmem:s20], [sflag:$0x2] =	stream.indirect.gather [hbm4b:s4+s18], $0x80, s30, s18, $0xb8;
	[tilespmem:$0x1FC40] =	vst v63  }
0x4a: {  	_ =	swait.ge [sflag:s12], $0x3400  }
0x4b: {  	[sflag:s12] =	ssyncset.done $0x0  }
0x4c: {  	[sflag:s12] =	ssyncadd.s32 $0xFFFFCC00  }
0x4d: {  	[spmem:s1] =	stream.indirect.scatter.add.f32 [tilespmem:s19], [sflag:$0x3], $0x80, s24, s18, $0xb8;
	[tilespmem:$0x1FC40] =	vst v63  }
0x4e: {  	_ =	swait.ge [sflag:s21], $0x3400  }
0x4f: {  	[sflag:s21] =	ssyncset.done $0x0  }
0x50: {  	[sflag:s21] =	ssyncadd.s32 $0xFFFFCC00  }
0x51: {  	[spmem:s1] =	stream.indirect.scatter.add.f32 [tilespmem:s20], [sflag:$0x4], $0x80, s25, s18, $0xb8;
	[tilespmem:$0x1FC40] =	vst v63  }
0x52: {  	_ =	swait.ge [sflag:s22], $0x3400  }
0x53: {  	[sflag:s22] =	ssyncset.done $0x0  }
0x54: {  	[sflag:s22] =	ssyncadd.s32 $0xFFFFCC00  }
0x55: {  	[tilespmem:s19], [sflag:$0x1] =	stream.indirect.gather [hbm4b:s4+s18], $0x80, s26, s18, $0xb8;
	[tilespmem:$0x1FC40] =	vst v63  }
0x56: {  	_ =	swait.ge [sflag:s23], $0x3400  }
0x57: {  	[sflag:s23] =	ssyncset.done $0x0  }
0x58: {  	[sflag:s23] =	ssyncadd.s32 $0xFFFFCC00  }
0x59: {  	_ =	swait.ge [sflag:s12], $0x3400  }
0x5a: {  	[sflag:s12] =	ssyncset.done $0x0  }
0x5b: {  	[sflag:s12] =	ssyncadd.s32 $0xFFFFCC00  }
0x5c: {  	[spmem:s1] =	stream.indirect.scatter.add.f32 [tilespmem:s19], [sflag:$0x5], $0x80, s28, s18, $0xb8;
	[tilespmem:$0x1FC40] =	vst v63  }
0x5d: {  	_ =	swait.ge [sflag:s16], $0x3400  }
0x5e: {  	[sflag:s16] =	ssyncset.done $0x0  }
0x5f: {  	[sflag:s16] =	ssyncadd.s32 $0xFFFFCC00  }
0x60: {  	[bflag:$0x0] =	sbarrier.arrive $0xFFFF  }
0x61: {  	[hbm:s9], [sflag:s14] =	dma.local [spmem:s15], $0x2700  }
0x62: {  	s29 =	sadd.s32 $0x1, s29;
	_ =	swait.ge [sflag:s16], $0x2700  }
0x63: {  	p1 =	sne.s32 s29, s11;
	[sflag:s16] =	ssyncset.done $0x0  }
.Ltmp1:
0x64: {  	s0 =	simm.s32 @!p0 $0x5;
	[sflag:s16] =	ssyncadd.s32 $0xFFFFD900;
	(pc) =	sbr.rel @p1 .LBB2_1-.Ltmp1, $4  }
0x65: {  	[hbm:s10], [sflag:s14] =	dma.local @!p0 [spmem:s17], $0x100  }
0x66: {  	_ =	swait.ge @!p0 [sflag:s0], $0x100  }
0x67: {  	[sflag:s0] =	ssyncset.done @!p0 $0x0  }
0x68: {  	[sflag:s0] =	ssyncadd.s32 @!p0 $0xFFFFFF00  }
0x69: {  	_ =	sfence.sel $0x180000  }
0x6a: {  	[bflag:$0x0] =	sbarrier.arrive $0xFFFF  }
0x6b: {  	_ =	strace $0x9000004D  }
0x6c: {  	s0 =	stileid.u32;
	[bflag:$0x2] =	sbarrier.arrive $0xFFFF  }
0x6d: {  	p0 =	sne.s32 s0, $0x0;
	s0 =	rddreg [dreg:$0x2]  }
0x6e: {  	s0 =	sadd.s32 @!p0 $0x100000, s0  }
0x6f: {  	[sflag:s0] =	ssyncadd.tile.s32 @!p0 $0x1;
	_ =	shalt  }
.Lfunc_end2:
_tile_overlayer_lowered:
.L_overlay_start_2:
0x70: {  	(tag) =	ssettag $0x2  }
0x71: {  	s0 =	rddreg [dreg:$0x0];
	s2 =	stileid.u32  }
0x72: {  	s1 =	rddreg [dreg:$0x1];
	p0 =	sne.s32 s2, $0x0  }
0x73: {  	s3 =	rddreg [dreg:$0x2];
	[bflag:$0x3] =	sbarrier.arrive $0xFFFF;
	s2 =	simm.s32 @!p0 $0x1C05  }
0x74: {  	[timem:s3], [sflag:s2] =	dma.local @!p0 [hbm:s0], s1  }
0x75: {  	s0 =	simm.s32 @!p0 $0x5  }
0x76: {  	_ =	swait.ge @!p0 [sflag:s0], s1  }
0x77: {  	s1 =	ssub.s32 @!p0 $0x0, s1;
	[sflag:s0] =	ssyncset.done @!p0 $0x0  }
0x78: {  	[sflag:s0] =	ssyncadd.s32 @!p0 s1  }
0x79: {  	[bflag:$0x3] =	sbarrier.arrive $0xFFFF  }
0x7a: {  	_ =	shalt  }

// kernel: kernel.20.cloned.1.call-start
scs
__scs_entry_jumppad:
0x0: {  	(pc) =	sbr.rel $0x88, $3  }
0x1: {  	(tag) =	ssettag $0x0;
	lr =	simm.s32 $0x1  }
0x2: {  	[smem:$0x3F97] =	sst lr;
	_ =	strace $0xD0000000  }
0x3: {  	_ = 	snop  }
0x4: {  	_ = 	snop  }
0x5: {  	_ = 	snop  }
0x6: {  	_ = 	snop  }
0x7: {  	_ = 	snop  }
__scs_overlays_trampoline_lowered:
0x8: {  	[smem:$0x3FA6] =	sst s0  }
0x9: {  	[smem:$0x3FA7] =	sst s1  }
0xa: {  	[smem:$0x3FA8] =	sst s2  }
0xb: {  	[smem:$0x3FA9] =	sst s3  }
0xc: {  	[smem:$0x3FAA] =	sst s4  }
0xd: {  	[smem:$0x3FAB] =	sst s5  }
0xe: {  	[smem:$0x3FAC] =	sst s6  }
0xf: {  	[smem:$0x3FAD] =	sst s7  }
0x10: {  	[smem:$0x3FAE] =	sst s8  }
0x11: {  	[smem:$0x3FAF] =	sst s9;
	s0 =	simm.s32 @!p0 $0x0  }
0x12: {  	s1 =	sld [smem:$0x3F95];
	s0 =	simm.s32 @p0 $0x1  }
0x13: {  	[smem:$0x3FB0] =	sst s0;
	s0 =	simm.s32 @!p1 $0x0  }
0x14: {  	s2 =	sld [smem:$0x3F94];
	s0 =	simm.s32 @p1 $0x1  }
0x15: {  	[smem:$0x3FB1] =	sst s0;
	s0 =	simm.s32 @!p2 $0x0  }
0x16: {  	s3 =	sld [smem:$0x3FDB];
	s0 =	simm.s32 @p2 $0x1  }
0x17: {  	s4 =	simm.s32 $0x1BF5;
	[smem:$0x3FB3] =	sst s0  }
0x18: {  	s0 =	sld [smem:$0x3F96];
	_ =	swait.ge [sflag:s4], $0x0  }
0x19: {  	s7 =	sld [smem:$0x3F97]  }
0x1a: {  	s8 =	sadd.s32 $0xFFFFE003, lr  }
0x1b: {  	s9 =	sadd.s32 $0xFFFFFEF7, lr;
	s5 =	simm.s32 $0xFFFFFFFF;
	p2 =	slt.u32 s8, $0xFFFFF086  }
0x1c: {  	p1 =	slt.u32 s9, $0xF7A;
	s5 =	simm.s32 @!p2 $0x0  }
0x1d: {  	s5 =	simm.s32 @p1 $0x1;
	p0 =	seq.s32 s7, s2  }
0x1e: {  	s7 =	smul.u32 @!p0 $0xF7A, s2;
	p2 =	seq.s32 @!p0 s5, $0x0  }
0x1f: {  	s9 =	smul.u32 $0xF7A, s1;
	s8 =	simm.s32 @!p0 $0x1BF5;
	p2 =	por !p2, p0  }
0x20: {  	[sflag:s8] =	ssyncset.s32 @!p0 $0xFFFFF086;
	s6 =	sadd.s32 @!p0 s3, s7;
	s7 =	simm.s32 @!p0 $0x108  }
0x21: {  	s3 =	sadd.s32 s3, s9;
	s6 =	sadd.s32 @!p0 $0x88, s6;
	s7 =	simm.s32 @p2 $0x1082  }
0x22: {  	[simem:s7], [sflag:s8] =	dma.local @!p0 [hbm:s6], $0xF7A  }
0x23: {  	s9 =	sor.u32 $0xD0000000, s2;
	s6 =	simm.s32 $0x108;
	_ =	swait.ge @!p0 [sflag:s8], $0x0  }
0x24: {  	s3 =	sadd.s32 $0x88, s3;
	s6 =	simm.s32 @!p1 $0x1082;
	[sflag:s4] =	ssyncset.s32 $0xFFFFF086  }
0x25: {  	[simem:s6], [sflag:s4] =	dma.local [hbm:s3], $0xF7A  }
0x26: {  	[smem:$0x3F97] =	sst s1;
	(tag) =	ssettag s2;
	_ =	strace s9  }
0x27: {  	s1 =	sld [smem:$0x3FA7]  }
0x28: {  	s2 =	sld [smem:$0x3FA8]  }
0x29: {  	s4 =	sld [smem:$0x3FAA]  }
0x2a: {  	p0 =	seq.s32 s5, $0x0;
	s5 =	sld [smem:$0x3FAB]  }
0x2b: {  	s6 =	sld [smem:$0x3FAC]  }
0x2c: {  	s7 =	sld [smem:$0x3FAD]  }
0x2d: {  	s3 =	simm.s32 $0x108;
	s8 =	sld [smem:$0x3FAE]  }
0x2e: {  	s3 =	simm.s32 @!p0 $0x1082;
	s9 =	sld [smem:$0x3FAF]  }
0x2f: {  	lr =	sadd.s32 s0, s3;
	s0 =	sld [smem:$0x3FA6]  }
0x30: {  	s3 =	sld [smem:$0x3FA9]  }
0x31: {  	[smem:$0x3FB2] =	sst s10  }
0x32: {  	s10 =	sld [smem:$0x3FB0];
	_ =	sdelay $0x3  }
0x33: {  	p0 =	seq.s32 s10, $0x1;
	s10 =	sld [smem:$0x3FB2];
	_ =	sdelay $0x3  }
0x34: {  	[smem:$0x3FB2] =	sst s10  }
0x35: {  	s10 =	sld [smem:$0x3FB1];
	_ =	sdelay $0x3  }
0x36: {  	p1 =	seq.s32 s10, $0x1;
	s10 =	sld [smem:$0x3FB2];
	_ =	sdelay $0x3  }
0x37: {  	[smem:$0x3FB2] =	sst s10  }
0x38: {  	s10 =	sld [smem:$0x3FB3]  }
0x39: {  	_ = 	snop;
	(pc) =	sbr.ind lr, $3  }
0x3a: {  	_ = 	snop  }
0x3b: {  	_ = 	snop  }
0x3c: {  	p2 =	seq.s32 s10, $0x1;
	s10 =	sld [smem:$0x3FB2]  }
0x3d: {  	_ =	shalt  }
0x3e: {  	_ =	shalt  }
0x3f: {  	_ =	shalt  }
0x40: {  	_ =	shalt  }
0x41: {  	_ =	shalt  }
0x42: {  	_ =	shalt  }
0x43: {  	_ =	shalt  }
0x44: {  	_ =	shalt  }
0x45: {  	_ =	shalt  }
0x46: {  	_ =	shalt  }
0x47: {  	_ =	shalt  }
0x48: {  	_ =	shalt  }
0x49: {  	_ =	shalt  }
0x4a: {  	_ =	shalt  }
0x4b: {  	_ =	shalt  }
0x4c: {  	_ =	shalt  }
0x4d: {  	_ =	shalt  }
0x4e: {  	_ =	shalt  }
0x4f: {  	_ =	shalt  }
0x50: {  	_ =	shalt  }
0x51: {  	_ =	shalt  }
0x52: {  	_ =	shalt  }
0x53: {  	_ =	shalt  }
0x54: {  	_ =	shalt  }
0x55: {  	_ =	shalt  }
0x56: {  	_ =	shalt  }
0x57: {  	_ =	shalt  }
0x58: {  	_ =	shalt  }
0x59: {  	_ =	shalt  }
0x5a: {  	_ =	shalt  }
0x5b: {  	_ =	shalt  }
0x5c: {  	_ =	shalt  }
0x5d: {  	_ =	shalt  }
0x5e: {  	_ =	shalt  }
0x5f: {  	_ =	shalt  }
0x60: {  	_ =	shalt  }
0x61: {  	_ =	shalt  }
0x62: {  	_ =	shalt  }
0x63: {  	_ =	shalt  }
0x64: {  	_ =	shalt  }
0x65: {  	_ =	shalt  }
0x66: {  	_ =	shalt  }
0x67: {  	_ =	shalt  }
0x68: {  	_ =	shalt  }
0x69: {  	_ =	shalt  }
0x6a: {  	_ =	shalt  }
0x6b: {  	_ =	shalt  }
0x6c: {  	_ =	shalt  }
0x6d: {  	_ =	shalt  }
0x6e: {  	_ =	shalt  }
0x6f: {  	_ =	shalt  }
0x70: {  	_ =	shalt  }
0x71: {  	_ =	shalt  }
0x72: {  	_ =	shalt  }
0x73: {  	_ =	shalt  }
0x74: {  	_ =	shalt  }
0x75: {  	_ =	shalt  }
0x76: {  	_ =	shalt  }
0x77: {  	_ =	shalt  }
0x78: {  	_ =	shalt  }
0x79: {  	_ =	shalt  }
0x7a: {  	_ =	shalt  }
0x7b: {  	_ =	shalt  }
0x7c: {  	_ =	shalt  }
0x7d: {  	_ =	shalt  }
0x7e: {  	_ =	shalt  }
0x7f: {  	_ =	shalt  }
0x80: {  	_ =	shalt  }
0x81: {  	_ =	shalt  }
0x82: {  	_ =	shalt  }
0x83: {  	_ =	shalt  }
0x84: {  	_ =	shalt  }
0x85: {  	_ =	shalt  }
0x86: {  	_ =	shalt  }
0x87: {  	_ =	shalt  }
.Lfunc_end0:
.L_simem_size_0:
called_computation.3_lowered:
.L_overlay_start_0:
0x88: {  	s2 =	sld [smem:$0x3FD9]  }
0x89: {  	s3 =	sld [smem:$0x3FFE];
	_ =	sdelay $0x1  }
0x8a: {  	s1 =	srdreg.scid  }
0x8b: {  	s0 =	sand.u32 $0x1, s1  }
0x8c: {  	s16 =	sshll.u32 s0, $0xA;
	s2 =	sadd.s32 s3, s2  }
0x8d: {  	s2 =	sadd.s32 s2, s16  }
0x8e: {  	[smem:$0x3FBE] =	sst s2  }
0x8f: {  	_ = 	snop  }
0x90: {  	(tm) =	ssettm $0x1  }
0x91: {  	s17 =	sld [smem:$0x3FFB];
	_ =	sdelay $0x3  }
0x92: {  	_ =	strace s17  }
0x93: {  	s2 =	sld [smem:$0x3FFC];
	_ =	sdelay $0x3  }
0x94: {  	_ =	strace s2  }
0x95: {  	s2 =	sld [smem:$0x3FFD];
	_ =	sdelay $0x3  }
0x96: {  	_ =	strace s2  }
0x97: {  	_ =	strace $0x8FFFFFFF  }
0x98: {  	s18 =	sld [smem:$0x3FDB];
	_ =	sdelay $0x1  }
0x99: {  	s19 =	simm.s32 $_scs_section_size  }
0x9a: {  	s4 =	simm.s32 $_size__tile_overlayer_lowered;
	s5 =	simm.s32 $_tile_overlayer_lowered  }
0x9b: {  	s22 =	simm.s32 $0x1BFF;
	s21 =	sshll.u32 s5, $0x1;
	s2 =	sadd.s32 s19, s18  }
0x9c: {  	s6 =	simm.s32 $0x0;
	s20 =	sshll.u32 s4, $0x1;
	s4 =	sadd.s32 s21, s2  }
0x9d: {  	[timem:s6], [sflag:s22] =	dma.local [hbm:s4], s20  }
0x9e: {  	_ =	swait.ge [sflag:s22], s20  }
0x9f: {  	s3 =	ssub.s32 $0x0, s20;
	[sflag:s22] =	ssyncset.done $0x0  }
0xa0: {  	[sflag:s22] =	ssyncadd.s32 s3;
	_ =	sdelay $0x1  }
0xa1: {  	s23 =	simm.s32 $0x1B8B  }
0xa2: {  	_ =	swait.ge [sflag:s23], $0x1  }
0xa3: {  	[sflag:s23] =	ssyncset.done $0x0  }
0xa4: {  	s25 =	simm.s32 $0x1B8E;
	s24 =	sld [smem:$0x3FFE];
	[sflag:s23] =	ssyncadd.s32 $0xFFFFFFFF  }
0xa5: {  	s26 =	simm.s32 $execute0_lowered;
	[smem:$0x3FD2] =	sst s25  }
0xa6: {  	s4 =	sshll.u32 s26, $0x1;
	_ =	strace $0x8000004F;
	[dreg:$0x1] =	wrdreg $0xFFFFFFFF  }
0xa7: {  	s28 =	simm.s32 $_size_execute0_lowered;
	s2 =	sadd.s32 s2, s4;
	[dreg:$0x0] =	wrdreg $0x0  }
0xa8: {  	s4 =	sshll.u32 s28, $0x1;
	[dreg:$0x2] =	wrdreg s2  }
0xa9: {  	[dreg:$0x3] =	wrdreg s4  }
0xaa: {  	[dreg:$0x4] =	wrdreg $0xC0  }
0xab: {  	_ =	task [dreg:s6], $0x5FFFF  }
0xac: {  	[dreg:$0x1] =	wrdreg $0xFFFFFFFF  }
0xad: {  	[dreg:$0x0] =	wrdreg $0x60  }
0xae: {  	[dreg:$0x2] =	wrdreg s24  }
0xaf: {  	[dreg:$0x3] =	wrdreg $0xC3800  }
0xb0: {  	[dreg:$0x4] =	wrdreg $0x9  }
0xb1: {  	_ =	task.clear_ibuf [dreg:s6], $0x5FFFF;
	_ =	strace $0x9000004F  }
0xb2: {  	s29 =	simm.s32 $0x9;
	_ =	strace $0x80000051  }
0xb3: {  	_ =	swait.ge [sflag:s29], $0x1  }
0xb4: {  	[sflag:s29] =	ssyncadd.s32 $0xFFFFFFFF  }
0xb5: {  	_ =	strace $0x90000051  }
0xb6: {  	_ =	sfence  }
0xb7: {  	s30 =	sld [smem:$0x0];
	_ =	sdelay $0x2  }
0xb8: {  	s31 =	sshll.u32 s1, $0xD;
	s1 =	sshrl.u32 s1, $0x2  }
0xb9: {  	s3 =	sand.u32 $0x4000, s31;
	s1 =	sadd.s32 s1, s30  }
0xba: {  	s0 =	sor.u32 s3, s0;
	s1 =	sshll.u32 s1, $0x11  }
0xbb: {  	s0 =	sor.u32 s1, s0  }
0xbc: {  	s0 =	sadd.s32 $0x8F2B, s0  }
0xbd: {  	[sflag:s0] =	ssyncadd.remote.s32 $0x1  }
0xbe: {  	_ =	sfence.sel $0xFFFF  }
0xbf: {  	[dreg:$0x0] =	wrdreg $0xFFFFFFFF;
	(pc) =	sbr.abs _section_cstart, $3  }
0xc0: {  	[dreg:$0x1] =	wrdreg $0xFFFFFFFF  }
0xc1: {  	_ =	task.clear_ibuf [dreg:s6], $0x2FFFF;
	_ =	strace $0x9FFFFFFF  }
0xc2: {  	(tm) =	ssettm $0x7FFFFFFF  }
0xc3: {  	_ =	shalt  }
tec
execute0_lowered:
.L_overlay_start_1:
0x0: {  	(tag) =	ssettag $0x1  }
0x1: {  	s0 =	rddreg [dreg:$0x0]  }
0x2: {  	s1 =	rddreg [dreg:$0x1]  }
0x3: {  	s2 =	srdreg.scid;
	s3 =	simm.s32 $0x0;
	s23 =	stileid.u32  }
0x4: {  	s16 =	simm.s32 $0x5;
	s18 =	simm.s32 $0x68;
	s19 =	simm.s32 $0x5B80  }
0x5: {  	s20 =	simm.s32 $0x8F80;
	s21 =	simm.s32 $0x2;
	s22 =	simm.s32 $0x3  }
0x6: {  	s28 =	simm.s32 $0x5780;
	s29 =	simm.s32 $0x0;
	s8 =	smul.u32 $0x13800, s23  }
0x7: {  	s5 =	sand.u32 $0x1, s2;
	[smem:$0x7FF] =	sst s3;
	s12 =	smul.u32 $0x4E000, s23  }
0x8: {  	s13 =	sadd.s32 $0x73200, s0;
	s17 =	sadd.s32 $0x138000, s1;
	p0 =	sne.s32 s23, $0xF  }
0x9: {  	s31 =	sshll.u32 s23, $0x6;
	s4 =	sshll.u32 s5, $0x4;
	_ =	strace $0x80000050  }
0xa: {  	s10 =	ssub.s32 $0x2, s5;
	s24 =	smul.u32 $0x138800, s5;
	s14 =	sor.u32 $0x1C05, s31  }
0xb: {  	s17 =	sshrl.u32 @!p0 s17, $0x3;
	s6 =	sor.u32 s23, s4;
	s4 =	sadd.s32 $0x3600, s0  }
0xc: {  	s9 =	sshrl.u32 s8, $0x3;
	s11 =	sshrl.u32 s10, $0x1;
	s25 =	sshrl.u32 s12, $0x2  }
0xd: {  	s12 =	simm.s32 $0x1;
	s23 =	simm.s32 $0x4;
	s7 =	smul.u32 $0x4F0, s6  }
0xe: {  	s6 =	smul.u32 $0x680, s6;
	s9 =	sadd.s32 s9, s0;
	s11 =	ssub.s32 s10, s11  }
0xf: {  	s15 =	sadd.s32 s25, s1;
	s8 =	sadd.s32 s8, s24;
	s10 =	sshrl.u32 s24, $0x3  }
0x10: {  	s24 =	simm.s32 $0x5680;
	s25 =	simm.s32 $0x5700;
	s26 =	sshrl.u32 s8, $0x3  }
0x11: {  	s8 =	sadd.s32 $0x51800, s0;
	s30 =	sadd.s32 s13, s10;
	s11 =	smax.u32 s11, $0x1  }
0x12: {  	s15 =	sshrl.u32 s15, $0x3;
	s7 =	sadd.s32 s7, s0;
	s6 =	sadd.s32 s6, s0  }
0x13: {  	s10 =	sadd.s32 $0x27000, s30;
	s5 =	sadd.s32 $0x69400, s7;
	s6 =	sadd.s32 $0x5C400, s6  }
0x14: {  	s7 =	sadd.s32 $0x2A800, s9;
	s9 =	sadd.s32 s13, s26;
	s26 =	simm.s32 $0x2700  }
.LBB2_1:
0x15: {  	[tilespmem:s3], [sflag:$0x1] =	stream.linear.gather [hbm4b:s5+s3], $0x2780, $0x38;
	[tilespmem:$0x1FC40] =	vst v63  }
0x16: {  	_ =	swait.ge [sflag:s12], $0x2780  }
0x17: {  	[sflag:s12] =	ssyncset.done $0x0  }
0x18: {  	s0 =	simm.s32 $0x2780;
	[sflag:s12] =	ssyncadd.s32 $0xFFFFD880  }
0x19: {  	[tilespmem:s0], [sflag:$0x1] =	stream.linear.gather [hbm4b:s6+s3], $0x3080, $0x38;
	[tilespmem:$0x1FC40] =	vst v63  }
0x1a: {  	_ =	swait.ge [sflag:s12], $0x3080  }
0x1b: {  	[sflag:s12] =	ssyncset.done $0x0  }
0x1c: {  	[sflag:s12] =	ssyncadd.s32 $0xFFFFCF80  }
0x1d: {  	[spmem:s15], [sflag:s14] =	dma.local [hbm:s7], $0x2700  }
0x1e: {  	_ =	swait.ge [sflag:s16], $0x2700  }
0x1f: {  	[sflag:s16] =	ssyncset.done $0x0  }
0x20: {  	s0 =	simm.s32 @!p0 $0x5;
	[sflag:s16] =	ssyncadd.s32 $0xFFFFD900  }
0x21: {  	[spmem:s17], [sflag:s14] =	dma.local @!p0 [hbm:s8], $0x100  }
0x22: {  	_ =	swait.ge @!p0 [sflag:s0], $0x100  }
0x23: {  	[sflag:s0] =	ssyncset.done @!p0 $0x0  }
0x24: {  	[sflag:s0] =	ssyncadd.s32 @!p0 $0xFFFFFF00  }
0x25: {  	[bflag:$0x0] =	sbarrier.arrive $0xFFFF  }
0x26: {  	[tilespmem:s19], [sflag:$0x1] =	stream.indirect.gather [hbm4b:s4+s18], $0x80, s3, s18, $0xb8;
	[tilespmem:$0x1FC40] =	vst v63  }
0x27: {  	_ = 	snop  }
0x28: {  	[tilespmem:s20], [sflag:$0x2] =	stream.indirect.gather [hbm4b:s4+s18], $0x80, s18, s18, $0xb8;
	[tilespmem:$0x1FC40] =	vst v63  }
0x29: {  	_ =	swait.ge [sflag:s12], $0x3400  }
0x2a: {  	[sflag:s12] =	ssyncset.done $0x0  }
0x2b: {  	s13 =	simm.s32 $0x2780;
	[sflag:s12] =	ssyncadd.s32 $0xFFFFCC00  }
0x2c: {  	[spmem:s1] =	stream.indirect.scatter.add.f32 [tilespmem:s19], [sflag:$0x3], $0x80, s13, s18, $0xb8;
	[tilespmem:$0x1FC40] =	vst v63  }
0x2d: {  	_ =	swait.ge [sflag:s21], $0x3400  }
0x2e: {  	[sflag:s21] =	ssyncset.done $0x0  }
0x2f: {  	s2 =	simm.s32 $0x2800;
	[sflag:s21] =	ssyncadd.s32 $0xFFFFCC00  }
0x30: {  	[spmem:s1] =	stream.indirect.scatter.add.f32 [tilespmem:s20], [sflag:$0x4], $0x80, s2, s18, $0xb8;
	[tilespmem:$0x1FC40] =	vst v63  }
0x31: {  	_ =	swait.ge [sflag:s22], $0x3400  }
0x32: {  	[sflag:s22] =	ssyncset.done $0x0  }
0x33: {  	s13 =	simm.s32 $0xD0;
	[sflag:s22] =	ssyncadd.s32 $0xFFFFCC00  }
0x34: {  	[tilespmem:s19], [sflag:$0x1] =	stream.indirect.gather [hbm4b:s4+s18], $0x80, s13, s18, $0xb8;
	[tilespmem:$0x1FC40] =	vst v63  }
0x35: {  	_ =	swait.ge [sflag:s23], $0x3400  }
0x36: {  	s30 =	simm.s32 $0x138;
	[sflag:s23] =	ssyncset.done $0x0  }
0x37: {  	s31 =	simm.s32 $0x400;
	s0 =	simm.s32 $0x208;
	[sflag:s23] =	ssyncadd.s32 $0xFFFFCC00  }
.LBB2_2:
0x38: {  	[tilespmem:s20], [sflag:$0x2] =	stream.indirect.gather [hbm4b:s4+s18], $0x80, s30, s18, $0xb8;
	[tilespmem:$0x1FC40] =	vst v63  }
0x39: {  	s2 =	smov.u32 s31;
	s30 =	smov.u32 s0  }
0x3a: {  	p1 =	sne.s32 s31, $0xB800;
	s31 =	sadd.s32 $0x400, s31;
	_ =	swait.ge [sflag:s12], $0x3400  }
0x3b: {  	s2 =	sshra.s32 s2, $0x2;
	[sflag:s12] =	ssyncset.done $0x0  }
0x3c: {  	s13 =	sadd.s32 $0x2780, s2;
	[sflag:s12] =	ssyncadd.s32 $0xFFFFCC00  }
0x3d: {  	[spmem:s1] =	stream.indirect.scatter.add.f32 [tilespmem:s19], [sflag:$0x3], $0x80, s13, s18, $0xb8;
	[tilespmem:$0x1FC40] =	vst v63  }
0x3e: {  	_ =	swait.ge [sflag:s21], $0x3400  }
0x3f: {  	[sflag:s21] =	ssyncset.done $0x0  }
0x40: {  	s2 =	sadd.s32 $0x2800, s2;
	[sflag:s21] =	ssyncadd.s32 $0xFFFFCC00  }
0x41: {  	[spmem:s1] =	stream.indirect.scatter.add.f32 [tilespmem:s20], [sflag:$0x4], $0x80, s2, s18, $0xb8;
	[tilespmem:$0x1FC40] =	vst v63  }
0x42: {  	_ =	swait.ge [sflag:s22], $0x3400  }
0x43: {  	[sflag:s22] =	ssyncset.done $0x0  }
.Ltmp0:
0x44: {  	s2 =	sadd.s32 $0xFFFFFF98, s0;
	[sflag:s22] =	ssyncadd.s32 $0xFFFFCC00;
	(pc) =	sbr.rel @p1 .LBB2_2-.Ltmp0, $4  }
0x45: {  	[tilespmem:s19], [sflag:$0x1] =	stream.indirect.gather [hbm4b:s4+s18], $0x80, s2, s18, $0xb8;
	[tilespmem:$0x1FC40] =	vst v63  }
0x46: {  	_ =	swait.ge [sflag:s23], $0x3400  }
0x47: {  	[sflag:s23] =	ssyncset.done $0x0  }
0x48: {  	s0 =	sadd.s32 $0xD0, s0;
	[sflag:s23] =	ssyncadd.s32 $0xFFFFCC00  }
0x49: {  	[tilespmem:s20], [sflag:$0x2] =	stream.indirect.gather [hbm4b:s4+s18], $0x80, s30, s18, $0xb8;
	[tilespmem:$0x1FC40] =	vst v63  }
0x4a: {  	_ =	swait.ge [sflag:s12], $0x3400  }
0x4b: {  	[sflag:s12] =	ssyncset.done $0x0  }
0x4c: {  	[sflag:s12] =	ssyncadd.s32 $0xFFFFCC00  }
0x4d: {  	[spmem:s1] =	stream.indirect.scatter.add.f32 [tilespmem:s19], [sflag:$0x3], $0x80, s24, s18, $0xb8;
	[tilespmem:$0x1FC40] =	vst v63  }
0x4e: {  	_ =	swait.ge [sflag:s21], $0x3400  }
0x4f: {  	[sflag:s21] =	ssyncset.done $0x0  }
0x50: {  	[sflag:s21] =	ssyncadd.s32 $0xFFFFCC00  }
0x51: {  	[spmem:s1] =	stream.indirect.scatter.add.f32 [tilespmem:s20], [sflag:$0x4], $0x80, s25, s18, $0xb8;
	[tilespmem:$0x1FC40] =	vst v63  }
0x52: {  	_ =	swait.ge [sflag:s22], $0x3400  }
0x53: {  	[sflag:s22] =	ssyncset.done $0x0  }
0x54: {  	[sflag:s22] =	ssyncadd.s32 $0xFFFFCC00  }
0x55: {  	[tilespmem:s19], [sflag:$0x1] =	stream.indirect.gather [hbm4b:s4+s18], $0x80, s26, s18, $0xb8;
	[tilespmem:$0x1FC40] =	vst v63  }
0x56: {  	_ =	swait.ge [sflag:s23], $0x3400  }
0x57: {  	[sflag:s23] =	ssyncset.done $0x0  }
0x58: {  	[sflag:s23] =	ssyncadd.s32 $0xFFFFCC00  }
0x59: {  	_ =	swait.ge [sflag:s12], $0x3400  }
0x5a: {  	[sflag:s12] =	ssyncset.done $0x0  }
0x5b: {  	[sflag:s12] =	ssyncadd.s32 $0xFFFFCC00  }
0x5c: {  	[spmem:s1] =	stream.indirect.scatter.add.f32 [tilespmem:s19], [sflag:$0x5], $0x80, s28, s18, $0xb8;
	[tilespmem:$0x1FC40] =	vst v63  }
0x5d: {  	_ =	swait.ge [sflag:s16], $0x3400  }
0x5e: {  	[sflag:s16] =	ssyncset.done $0x0  }
0x5f: {  	[sflag:s16] =	ssyncadd.s32 $0xFFFFCC00  }
0x60: {  	[bflag:$0x0] =	sbarrier.arrive $0xFFFF  }
0x61: {  	[hbm:s9], [sflag:s14] =	dma.local [spmem:s15], $0x2700  }
0x62: {  	s29 =	sadd.s32 $0x1, s29;
	_ =	swait.ge [sflag:s16], $0x2700  }
0x63: {  	p1 =	sne.s32 s29, s11;
	[sflag:s16] =	ssyncset.done $0x0  }
.Ltmp1:
0x64: {  	s0 =	simm.s32 @!p0 $0x5;
	[sflag:s16] =	ssyncadd.s32 $0xFFFFD900;
	(pc) =	sbr.rel @p1 .LBB2_1-.Ltmp1, $4  }
0x65: {  	[hbm:s10], [sflag:s14] =	dma.local @!p0 [spmem:s17], $0x100  }
0x66: {  	_ =	swait.ge @!p0 [sflag:s0], $0x100  }
0x67: {  	[sflag:s0] =	ssyncset.done @!p0 $0x0  }
0x68: {  	[sflag:s0] =	ssyncadd.s32 @!p0 $0xFFFFFF00  }
0x69: {  	_ =	sfence.sel $0x180000  }
0x6a: {  	[bflag:$0x0] =	sbarrier.arrive $0xFFFF  }
0x6b: {  	_ =	strace $0x90000050  }
0x6c: {  	s0 =	stileid.u32;
	[bflag:$0x2] =	sbarrier.arrive $0xFFFF  }
0x6d: {  	p0 =	sne.s32 s0, $0x0;
	s0 =	rddreg [dreg:$0x2]  }
0x6e: {  	s0 =	sadd.s32 @!p0 $0x100000, s0  }
0x6f: {  	[sflag:s0] =	ssyncadd.tile.s32 @!p0 $0x1;
	_ =	shalt  }
.Lfunc_end2:
_tile_overlayer_lowered:
.L_overlay_start_2:
0x70: {  	(tag) =	ssettag $0x2  }
0x71: {  	s0 =	rddreg [dreg:$0x0];
	s2 =	stileid.u32  }
0x72: {  	s1 =	rddreg [dreg:$0x1];
	p0 =	sne.s32 s2, $0x0  }
0x73: {  	s3 =	rddreg [dreg:$0x2];
	[bflag:$0x3] =	sbarrier.arrive $0xFFFF;
	s2 =	simm.s32 @!p0 $0x1C05  }
0x74: {  	[timem:s3], [sflag:s2] =	dma.local @!p0 [hbm:s0], s1  }
0x75: {  	s0 =	simm.s32 @!p0 $0x5  }
0x76: {  	_ =	swait.ge @!p0 [sflag:s0], s1  }
0x77: {  	s1 =	ssub.s32 @!p0 $0x0, s1;
	[sflag:s0] =	ssyncset.done @!p0 $0x0  }
0x78: {  	[sflag:s0] =	ssyncadd.s32 @!p0 s1  }
0x79: {  	[bflag:$0x3] =	sbarrier.arrive $0xFFFF  }
0x7a: {  	_ =	shalt  }

</sc_bundles>
